<compile_context>
chip_gen: v7x
topology: tpu7x:2x2x1
jax: 0.10.2.dev20260603
libtpu: 0.0.44.dev20260713+nightly
codegen_flags: <defaults>
</compile_context>

<pallas_src>
import functools

import jax
import jax.numpy as jnp
from jax import lax
from jax.experimental import pallas as pl
from jax.experimental.pallas import tpu as pltpu
from jax.experimental.pallas import tpu_sc as plsc



@functools.lru_cache(maxsize=None)
def _make_gather(V, D, Bx, S, MC, cbase):
    info = plsc.get_sparse_core_info()
    NC, NS = info.num_cores, info.num_subcores
    NW = NC * NS
    b_per_w = MC // NW
    CH = 64
    NB = 3
    n_ch = b_per_w // CH
    mesh = plsc.VectorSubcoreMesh(core_axis_name="c", subcore_axis_name="s")

    @functools.partial(
        pl.kernel,
        mesh=mesh,
        out_type=jax.ShapeDtypeStruct((MC, D), jnp.float32),
        scratch_types=[
            pltpu.VMEM((b_per_w,), jnp.int32),
            *[pltpu.VMEM((CH, D), jnp.float32) for _ in range(NB)],
            *[pltpu.SemaphoreType.DMA for _ in range(2 * NB)],
        ],
    )
    def gather(table_hbm, idx_hbm, out_hbm, idx_v, *rest):
        bufs = rest[:NB]
        gsems = rest[NB:2 * NB]
        wsems = rest[2 * NB:]
        wid = lax.axis_index("s") * NC + lax.axis_index("c")
        base = wid * b_per_w
        g0 = cbase + base
        pltpu.sync_copy(idx_hbm.at[g0 // S, pl.ds(g0 % S, b_per_w)], idx_v)

        def g_start(c):
            return pltpu.async_copy(
                table_hbm.at[idx_v.at[pl.ds(c * CH, CH)]],
                bufs[c % NB], gsems[c % NB])

        def w_start(c):
            return pltpu.async_copy(
                bufs[c % NB], out_hbm.at[pl.ds(base + c * CH, CH)],
                wsems[c % NB])

        g = [None] * n_ch
        w = [None] * n_ch
        for c in range(min(NB, n_ch)):
            g[c] = g_start(c)
        for c in range(n_ch):
            g[c].wait()
            w[c] = w_start(c)
            if c + NB < n_ch:
                w[c].wait()
                g[c + NB] = g_start(c + NB)
        for c in range(max(0, n_ch - NB), n_ch):
            w[c].wait()

    return gather



def _mm_body(e_ref, w_ref, b_ref, o_ref):
    o_ref[0] = lax.dot_general(
        e_ref[...], w_ref[...],
        dimension_numbers=(((1,), (1,)), ((), ())),
        preferred_element_type=jnp.float32,
    ) + b_ref[...]


def _mm_body_alias(e_ref, w_ref, b_ref, _prev_ref, o_ref):
    _mm_body(e_ref, w_ref, b_ref, o_ref)


@functools.lru_cache(maxsize=None)
def _make_matmul(Bx, S, MC, D, N, c, aliased, BM=2048):
    nblk = MC // BM
    SB = S // BM
    off = c
    in_specs = [
        pl.BlockSpec((BM, D), lambda i: (i, 0)),
        pl.BlockSpec((N, D), lambda i: (0, 0)),
        pl.BlockSpec((1, N), lambda i: (0, 0)),
    ]
    body = _mm_body
    kwargs = {}
    if aliased:
        in_specs.append(pl.BlockSpec(memory_space=pl.ANY))
        body = _mm_body_alias
        kwargs["input_output_aliases"] = {3: 0}
    return pl.pallas_call(
        body,
        grid=(nblk,),
        in_specs=in_specs,
        out_specs=pl.BlockSpec(
            (1, BM, N), lambda i: ((off + i) // SB, (off + i) % SB, 0)),
        out_shape=jax.ShapeDtypeStruct((Bx, S, N), jnp.float32),
        **kwargs,
    )


_BM = 2048
_CHUNKS = (4096, 4096)


def kernel(x, table, W, b):
    Bx, S = x.shape
    V, D = table.shape
    N = W.shape[0]
    M = Bx * S
    del M
    x = x.astype(jnp.int32)
    b2 = b.reshape(1, N)
    starts = [sum(_CHUNKS[:i]) for i in range(len(_CHUNKS))]
    embs = [_make_gather(V, D, Bx, S, mc, s)(table, x)
            for mc, s in zip(_CHUNKS, starts)]
    out = None
    for i, (mc, s) in enumerate(zip(_CHUNKS, starts)):
        mm = _make_matmul(Bx, S, mc, D, N, s // _BM, i > 0, _BM)
        out = mm(embs[i], W, b2) if i == 0 else mm(embs[i], W, b2, out)
    return out

# --- scband reference (transcript-rebuilt; emitter-appended) ---
"""Pipeline reference for scband-nano-embending-62122406969908 (READ-ONLY COPY).

The authoritative reference and input builder live on the scoring server;
editing this copy changes nothing except your own understanding.
"""

import jax, jax.numpy as jnp
import numpy as np

VOCAB = 100000
EMB_DIM = 512
ATTN_DIM = 768
B, S = 4, 2048

def setup_inputs(seed: int = 0) -> dict:
    key = jax.random.key(seed)
    k1, k2, k3, k4 = jax.random.split(key, 4)
    x = jax.random.randint(k1, (B, S), 0, VOCAB, dtype=jnp.int64 if jax.config.jax_enable_x64 else jnp.int32)
    table = jax.random.normal(k2, (VOCAB, EMB_DIM), dtype=jnp.float32)
    # nn.Linear(EMB_DIM, ATTN_DIM): weight [ATTN_DIM, EMB_DIM], bias [ATTN_DIM]
    bound = 1.0 / np.sqrt(EMB_DIM)
    W = jax.random.uniform(k3, (ATTN_DIM, EMB_DIM), minval=-bound, maxval=bound, dtype=jnp.float32)
    b = jax.random.uniform(k4, (ATTN_DIM,), minval=-bound, maxval=bound, dtype=jnp.float32)
    return {"x": x, "table": table, "W": W, "b": b}

def reference(x, table, W, b):
    # token embedding lookup (gather)
    emb = jnp.take(table, x, axis=0)            # [B, S, EMB_DIM]
    # linear projection: y = emb @ W.T + b
    out = jnp.einsum('bse,ae->bsa', emb, W) + b  # [B, S, ATTN_DIM]
    return out

if __name__ == "__main__":
    import jax
    _d = setup_inputs()
    print(jax.jit(kernel)(*tuple(_d.values())))

</pallas_src>

<mosaic_0001>
#map = affine_map<(d0, d1) -> (0, 0)>
module attributes {stable_mosaic.version = 14 : i64} {
  func.func @gather(%arg0: i32, %arg1: i32, %arg2: memref<100000x512xf32, #tpu.memory_space<hbm>>, %arg3: memref<4x2048xi32, #tpu.memory_space<hbm>>, %arg4: memref<4096x512xf32, #tpu.memory_space<hbm>>, %arg5: memref<128xi32, #tpu.memory_space<vmem>>, %arg6: memref<64x512xf32, #tpu.memory_space<vmem>>, %arg7: memref<64x512xf32, #tpu.memory_space<vmem>>, %arg8: memref<64x512xf32, #tpu.memory_space<vmem>>, %arg9: memref<!tpu.dma_semaphore, #tpu.memory_space<semaphore_mem>>, %arg10: memref<!tpu.dma_semaphore, #tpu.memory_space<semaphore_mem>>, %arg11: memref<!tpu.dma_semaphore, #tpu.memory_space<semaphore_mem>>, %arg12: memref<!tpu.dma_semaphore, #tpu.memory_space<semaphore_mem>>, %arg13: memref<!tpu.dma_semaphore, #tpu.memory_space<semaphore_mem>>, %arg14: memref<!tpu.dma_semaphore, #tpu.memory_space<semaphore_mem>>) attributes {dimension_semantics = [#tpu.dimension_semantics<core_parallel>, #tpu.dimension_semantics<subcore_parallel>], iteration_bounds = array<i64: 2, 16>, scalar_prefetch = 0 : i64, scratch_operands = 10 : i64, tpu.core_type = #tpu.core_type<sc_vector_subcore>, window_params = [{transform_indices = #map}, {transform_indices = #map}, {transform_indices = #map}]} {
    %mul3A = arith.constant 2 : i32
    %mul3A_0 = arith.muli %arg1, %mul3A : i32
    %add3A = arith.addi %mul3A_0, %arg0 : i32
    %mul3A_1 = arith.constant 128 : i32
    %mul3A_2 = arith.muli %add3A, %mul3A_1 : i32
    %add3A_3 = arith.constant 4096 : i32
    %add3A_4 = arith.addi %add3A_3, %mul3A_2 : i32
    %jit3A = arith.constant 2048 : i32
    %div3A = arith.divsi %add3A_4, %jit3A : i32
    %sign3A = arith.constant 0 : i32
    %sign3A_5 = arith.cmpi sgt, %add3A_4, %sign3A : i32
    %sign3A_6 = arith.extui %sign3A_5 : i1 to i32
    %sign3A_7 = arith.constant 0 : i32
    %sign3A_8 = arith.cmpi slt, %add3A_4, %sign3A_7 : i32
    %sign3A_9 = arith.extui %sign3A_8 : i1 to i32
    %sign3A_10 = arith.subi %sign3A_6, %sign3A_9 : i32
    %sign3A_11 = arith.constant 0 : i32
    %sign3A_12 = arith.cmpi sgt, %jit3A, %sign3A_11 : i32
    %sign3A_13 = arith.extui %sign3A_12 : i1 to i32
    %sign3A_14 = arith.constant 0 : i32
    %sign3A_15 = arith.cmpi slt, %jit3A, %sign3A_14 : i32
    %sign3A_16 = arith.extui %sign3A_15 : i1 to i32
    %sign3A_17 = arith.subi %sign3A_13, %sign3A_16 : i32
    %ne3A = arith.cmpi ne, %sign3A_10, %sign3A_17 : i32
    %rem3A = arith.remsi %add3A_4, %jit3A : i32
    %ne3A_18 = arith.constant 0 : i32
    %ne3A_19 = arith.cmpi ne, %rem3A, %ne3A_18 : i32
    %and3A = arith.andi %ne3A, %ne3A_19 : i1
    %sub3A = arith.constant 1 : i32
    %sub3A_20 = arith.subi %div3A, %sub3A : i32
    %select_n3A = arith.select %and3A, %sub3A_20, %div3A : i32
    %jit3A_21 = arith.constant 2048 : i32
    %eq3A = arith.constant 0 : i32
    %eq3A_22 = arith.cmpi eq, %jit3A_21, %eq3A : i32
    %jit3A_23 = arith.constant 1 : i32
    %select_n3A_24 = arith.select %eq3A_22, %jit3A_23, %jit3A_21 : i32
    %rem3A_25 = arith.remsi %add3A_4, %select_n3A_24 : i32
    %ne3A_26 = arith.constant 0 : i32
    %ne3A_27 = arith.cmpi ne, %rem3A_25, %ne3A_26 : i32
    %lt3A = arith.constant 0 : i32
    %lt3A_28 = arith.cmpi slt, %rem3A_25, %lt3A : i32
    %lt3A_29 = arith.constant 0 : i32
    %lt3A_30 = arith.cmpi slt, %select_n3A_24, %lt3A_29 : i32
    %ne3A_31 = arith.xori %lt3A_28, %lt3A_30 : i1
    %and3A_32 = arith.andi %ne3A_31, %ne3A_27 : i1
    %add3A_33 = arith.addi %rem3A_25, %select_n3A_24 : i32
    %select_n3A_34 = arith.select %and3A_32, %add3A_33, %rem3A_25 : i32
    "tpu.region"() ({
      %run_scoped3A = tpu.sem_alloc : memref<!tpu.dma_semaphore, #tpu.memory_space<semaphore_mem>>
      %dma_start3A_73 = tpu.memref_slice %arg3[%select_n3A, %select_n3A_34] : memref<4x2048xi32, #tpu.memory_space<hbm>> -> memref<1x128xi32, #tpu.memory_space<hbm>>
      %dma_start3A_74 = tpu.memref_squeeze %dma_start3A_73 : memref<1x128xi32, #tpu.memory_space<hbm>> -> memref<128xi32, #tpu.memory_space<hbm>>
      %dma_start3A_75 = tpu.memref_slice %arg3[%select_n3A, %select_n3A_34] : memref<4x2048xi32, #tpu.memory_space<hbm>> -> memref<1x128xi32, #tpu.memory_space<hbm>>
      %dma_start3A_76 = tpu.memref_squeeze %dma_start3A_75 : memref<1x128xi32, #tpu.memory_space<hbm>> -> memref<128xi32, #tpu.memory_space<hbm>>
      tpu.enqueue_dma source(%dma_start3A_76 : memref<128xi32, #tpu.memory_space<hbm>>) target(%arg5 : memref<128xi32, #tpu.memory_space<vmem>>) target_semaphore(%run_scoped3A : memref<!tpu.dma_semaphore, #tpu.memory_space<semaphore_mem>>)
      %dma_wait3A_77 = tpu.memref_slice %arg3[%select_n3A, %select_n3A_34] : memref<4x2048xi32, #tpu.memory_space<hbm>> -> memref<1x128xi32, #tpu.memory_space<hbm>>
      %dma_wait3A_78 = tpu.memref_squeeze %dma_wait3A_77 : memref<1x128xi32, #tpu.memory_space<hbm>> -> memref<128xi32, #tpu.memory_space<hbm>>
      %dma_wait3A_79 = tpu.memref_slice %arg3[%select_n3A, %select_n3A_34] : memref<4x2048xi32, #tpu.memory_space<hbm>> -> memref<1x128xi32, #tpu.memory_space<hbm>>
      %dma_wait3A_80 = tpu.memref_squeeze %dma_wait3A_79 : memref<1x128xi32, #tpu.memory_space<hbm>> -> memref<128xi32, #tpu.memory_space<hbm>>
      tpu.wait_dma2 semaphore(%run_scoped3A : memref<!tpu.dma_semaphore, #tpu.memory_space<semaphore_mem>>) src(%dma_wait3A_80 : memref<128xi32, #tpu.memory_space<hbm>>) dst(%arg5 : memref<128xi32, #tpu.memory_space<vmem>>)
      tpu.yield
    }) : () -> ()
    %dma_start3A = arith.constant 0 : i32
    %dma_start3A_35 = tpu.memref_slice %arg5[%dma_start3A] : memref<128xi32, #tpu.memory_space<vmem>> -> memref<64xi32, #tpu.memory_space<vmem>>
    %dma_start3A_36 = arith.constant 0 : i32
    %dma_start3A_37 = arith.constant 0 : i32
    %dma_start3A_38 = tpu.memref_slice %arg2[%dma_start3A_36, %dma_start3A_37] : memref<100000x512xf32, #tpu.memory_space<hbm>> -> memref<100000x512xf32, #tpu.memory_space<hbm>>
    tpu.enqueue_indirect_dma source(%dma_start3A_38 : memref<100000x512xf32, #tpu.memory_space<hbm>>) target(%arg6 : memref<64x512xf32, #tpu.memory_space<vmem>>) offsets(%dma_start3A_35 : memref<64xi32, #tpu.memory_space<vmem>>) semaphore(%arg9 : memref<!tpu.dma_semaphore, #tpu.memory_space<semaphore_mem>>)
    %dma_start3A_39 = arith.constant 64 : i32
    %dma_start3A_40 = tpu.memref_slice %arg5[%dma_start3A_39] : memref<128xi32, #tpu.memory_space<vmem>> -> memref<64xi32, #tpu.memory_space<vmem>>
    %dma_start3A_41 = arith.constant 0 : i32
    %dma_start3A_42 = arith.constant 0 : i32
    %dma_start3A_43 = tpu.memref_slice %arg2[%dma_start3A_41, %dma_start3A_42] : memref<100000x512xf32, #tpu.memory_space<hbm>> -> memref<100000x512xf32, #tpu.memory_space<hbm>>
    tpu.enqueue_indirect_dma source(%dma_start3A_43 : memref<100000x512xf32, #tpu.memory_space<hbm>>) target(%arg7 : memref<64x512xf32, #tpu.memory_space<vmem>>) offsets(%dma_start3A_40 : memref<64xi32, #tpu.memory_space<vmem>>) semaphore(%arg10 : memref<!tpu.dma_semaphore, #tpu.memory_space<semaphore_mem>>)
    %dma_wait3A = arith.constant 0 : i32
    %dma_wait3A_44 = tpu.memref_slice %arg5[%dma_wait3A] : memref<128xi32, #tpu.memory_space<vmem>> -> memref<64xi32, #tpu.memory_space<vmem>>
    %dma_wait3A_45 = arith.constant 0 : i32
    %dma_wait3A_46 = arith.constant 0 : i32
    %dma_wait3A_47 = tpu.memref_slice %arg2[%dma_wait3A_45, %dma_wait3A_46] : memref<100000x512xf32, #tpu.memory_space<hbm>> -> memref<100000x512xf32, #tpu.memory_space<hbm>>
    tpu.wait_indirect_dma semaphore(%arg9 : memref<!tpu.dma_semaphore, #tpu.memory_space<semaphore_mem>>) src(%dma_wait3A_47 : memref<100000x512xf32, #tpu.memory_space<hbm>>) dst(%arg6 : memref<64x512xf32, #tpu.memory_space<vmem>>)
    %add3A_48 = arith.constant 0 : i32
    %add3A_49 = arith.addi %mul3A_2, %add3A_48 : i32
    %dma_start3A_50 = arith.constant 0 : i32
    %dma_start3A_51 = tpu.memref_slice %arg4[%add3A_49, %dma_start3A_50] : memref<4096x512xf32, #tpu.memory_space<hbm>> -> memref<64x512xf32, #tpu.memory_space<hbm>>
    %dma_start3A_52 = arith.constant 0 : i32
    %dma_start3A_53 = tpu.memref_slice %arg4[%add3A_49, %dma_start3A_52] : memref<4096x512xf32, #tpu.memory_space<hbm>> -> memref<64x512xf32, #tpu.memory_space<hbm>>
    tpu.enqueue_dma source(%arg6 : memref<64x512xf32, #tpu.memory_space<vmem>>) target(%dma_start3A_53 : memref<64x512xf32, #tpu.memory_space<hbm>>) target_semaphore(%arg12 : memref<!tpu.dma_semaphore, #tpu.memory_space<semaphore_mem>>)
    %dma_wait3A_54 = arith.constant 64 : i32
    %dma_wait3A_55 = tpu.memref_slice %arg5[%dma_wait3A_54] : memref<128xi32, #tpu.memory_space<vmem>> -> memref<64xi32, #tpu.memory_space<vmem>>
    %dma_wait3A_56 = arith.constant 0 : i32
    %dma_wait3A_57 = arith.constant 0 : i32
    %dma_wait3A_58 = tpu.memref_slice %arg2[%dma_wait3A_56, %dma_wait3A_57] : memref<100000x512xf32, #tpu.memory_space<hbm>> -> memref<100000x512xf32, #tpu.memory_space<hbm>>
    tpu.wait_indirect_dma semaphore(%arg10 : memref<!tpu.dma_semaphore, #tpu.memory_space<semaphore_mem>>) src(%dma_wait3A_58 : memref<100000x512xf32, #tpu.memory_space<hbm>>) dst(%arg7 : memref<64x512xf32, #tpu.memory_space<vmem>>)
    %add3A_59 = arith.constant 64 : i32
    %add3A_60 = arith.addi %mul3A_2, %add3A_59 : i32
    %dma_start3A_61 = arith.constant 0 : i32
    %dma_start3A_62 = tpu.memref_slice %arg4[%add3A_60, %dma_start3A_61] : memref<4096x512xf32, #tpu.memory_space<hbm>> -> memref<64x512xf32, #tpu.memory_space<hbm>>
    %dma_start3A_63 = arith.constant 0 : i32
    %dma_start3A_64 = tpu.memref_slice %arg4[%add3A_60, %dma_start3A_63] : memref<4096x512xf32, #tpu.memory_space<hbm>> -> memref<64x512xf32, #tpu.memory_space<hbm>>
    tpu.enqueue_dma source(%arg7 : memref<64x512xf32, #tpu.memory_space<vmem>>) target(%dma_start3A_64 : memref<64x512xf32, #tpu.memory_space<hbm>>) target_semaphore(%arg13 : memref<!tpu.dma_semaphore, #tpu.memory_space<semaphore_mem>>)
    %dma_wait3A_65 = arith.constant 0 : i32
    %dma_wait3A_66 = tpu.memref_slice %arg4[%add3A_49, %dma_wait3A_65] : memref<4096x512xf32, #tpu.memory_space<hbm>> -> memref<64x512xf32, #tpu.memory_space<hbm>>
    %dma_wait3A_67 = arith.constant 0 : i32
    %dma_wait3A_68 = tpu.memref_slice %arg4[%add3A_49, %dma_wait3A_67] : memref<4096x512xf32, #tpu.memory_space<hbm>> -> memref<64x512xf32, #tpu.memory_space<hbm>>
    tpu.wait_dma2 semaphore(%arg12 : memref<!tpu.dma_semaphore, #tpu.memory_space<semaphore_mem>>) src(%arg6 : memref<64x512xf32, #tpu.memory_space<vmem>>) dst(%dma_wait3A_68 : memref<64x512xf32, #tpu.memory_space<hbm>>)
    %dma_wait3A_69 = arith.constant 0 : i32
    %dma_wait3A_70 = tpu.memref_slice %arg4[%add3A_60, %dma_wait3A_69] : memref<4096x512xf32, #tpu.memory_space<hbm>> -> memref<64x512xf32, #tpu.memory_space<hbm>>
    %dma_wait3A_71 = arith.constant 0 : i32
    %dma_wait3A_72 = tpu.memref_slice %arg4[%add3A_60, %dma_wait3A_71] : memref<4096x512xf32, #tpu.memory_space<hbm>> -> memref<64x512xf32, #tpu.memory_space<hbm>>
    tpu.wait_dma2 semaphore(%arg13 : memref<!tpu.dma_semaphore, #tpu.memory_space<semaphore_mem>>) src(%arg7 : memref<64x512xf32, #tpu.memory_space<vmem>>) dst(%dma_wait3A_72 : memref<64x512xf32, #tpu.memory_space<hbm>>)
    return
  }
}

#map = affine_map<(d0, d1) -> (0, 0)>
module attributes {stable_mosaic.version = 14 : i64} {
  func.func @gather(%arg0: i32, %arg1: i32, %arg2: memref<100000x512xf32, #tpu.memory_space<hbm>>, %arg3: memref<4x2048xi32, #tpu.memory_space<hbm>>, %arg4: memref<4096x512xf32, #tpu.memory_space<hbm>>, %arg5: memref<128xi32, #tpu.memory_space<vmem>>, %arg6: memref<64x512xf32, #tpu.memory_space<vmem>>, %arg7: memref<64x512xf32, #tpu.memory_space<vmem>>, %arg8: memref<64x512xf32, #tpu.memory_space<vmem>>, %arg9: memref<!tpu.dma_semaphore, #tpu.memory_space<semaphore_mem>>, %arg10: memref<!tpu.dma_semaphore, #tpu.memory_space<semaphore_mem>>, %arg11: memref<!tpu.dma_semaphore, #tpu.memory_space<semaphore_mem>>, %arg12: memref<!tpu.dma_semaphore, #tpu.memory_space<semaphore_mem>>, %arg13: memref<!tpu.dma_semaphore, #tpu.memory_space<semaphore_mem>>, %arg14: memref<!tpu.dma_semaphore, #tpu.memory_space<semaphore_mem>>) attributes {dimension_semantics = [#tpu.dimension_semantics<core_parallel>, #tpu.dimension_semantics<subcore_parallel>], iteration_bounds = array<i64: 2, 16>, scalar_prefetch = 0 : i64, scratch_operands = 10 : i64, tpu.core_type = #tpu.core_type<sc_vector_subcore>, window_params = [{transform_indices = #map}, {transform_indices = #map}, {transform_indices = #map}]} {
    %mul3A = arith.constant 2 : i32
    %mul3A_0 = arith.muli %arg1, %mul3A : i32
    %add3A = arith.addi %mul3A_0, %arg0 : i32
    %mul3A_1 = arith.constant 128 : i32
    %mul3A_2 = arith.muli %add3A, %mul3A_1 : i32
    %add3A_3 = arith.constant 0 : i32
    %add3A_4 = arith.addi %add3A_3, %mul3A_2 : i32
    %jit3A = arith.constant 2048 : i32
    %div3A = arith.divsi %add3A_4, %jit3A : i32
    %sign3A = arith.constant 0 : i32
    %sign3A_5 = arith.cmpi sgt, %add3A_4, %sign3A : i32
    %sign3A_6 = arith.extui %sign3A_5 : i1 to i32
    %sign3A_7 = arith.constant 0 : i32
    %sign3A_8 = arith.cmpi slt, %add3A_4, %sign3A_7 : i32
    %sign3A_9 = arith.extui %sign3A_8 : i1 to i32
    %sign3A_10 = arith.subi %sign3A_6, %sign3A_9 : i32
    %sign3A_11 = arith.constant 0 : i32
    %sign3A_12 = arith.cmpi sgt, %jit3A, %sign3A_11 : i32
    %sign3A_13 = arith.extui %sign3A_12 : i1 to i32
    %sign3A_14 = arith.constant 0 : i32
    %sign3A_15 = arith.cmpi slt, %jit3A, %sign3A_14 : i32
    %sign3A_16 = arith.extui %sign3A_15 : i1 to i32
    %sign3A_17 = arith.subi %sign3A_13, %sign3A_16 : i32
    %ne3A = arith.cmpi ne, %sign3A_10, %sign3A_17 : i32
    %rem3A = arith.remsi %add3A_4, %jit3A : i32
    %ne3A_18 = arith.constant 0 : i32
    %ne3A_19 = arith.cmpi ne, %rem3A, %ne3A_18 : i32
    %and3A = arith.andi %ne3A, %ne3A_19 : i1
    %sub3A = arith.constant 1 : i32
    %sub3A_20 = arith.subi %div3A, %sub3A : i32
    %select_n3A = arith.select %and3A, %sub3A_20, %div3A : i32
    %jit3A_21 = arith.constant 2048 : i32
    %eq3A = arith.constant 0 : i32
    %eq3A_22 = arith.cmpi eq, %jit3A_21, %eq3A : i32
    %jit3A_23 = arith.constant 1 : i32
    %select_n3A_24 = arith.select %eq3A_22, %jit3A_23, %jit3A_21 : i32
    %rem3A_25 = arith.remsi %add3A_4, %select_n3A_24 : i32
    %ne3A_26 = arith.constant 0 : i32
    %ne3A_27 = arith.cmpi ne, %rem3A_25, %ne3A_26 : i32
    %lt3A = arith.constant 0 : i32
    %lt3A_28 = arith.cmpi slt, %rem3A_25, %lt3A : i32
    %lt3A_29 = arith.constant 0 : i32
    %lt3A_30 = arith.cmpi slt, %select_n3A_24, %lt3A_29 : i32
    %ne3A_31 = arith.xori %lt3A_28, %lt3A_30 : i1
    %and3A_32 = arith.andi %ne3A_31, %ne3A_27 : i1
    %add3A_33 = arith.addi %rem3A_25, %select_n3A_24 : i32
    %select_n3A_34 = arith.select %and3A_32, %add3A_33, %rem3A_25 : i32
    "tpu.region"() ({
      %run_scoped3A = tpu.sem_alloc : memref<!tpu.dma_semaphore, #tpu.memory_space<semaphore_mem>>
      %dma_start3A_73 = tpu.memref_slice %arg3[%select_n3A, %select_n3A_34] : memref<4x2048xi32, #tpu.memory_space<hbm>> -> memref<1x128xi32, #tpu.memory_space<hbm>>
      %dma_start3A_74 = tpu.memref_squeeze %dma_start3A_73 : memref<1x128xi32, #tpu.memory_space<hbm>> -> memref<128xi32, #tpu.memory_space<hbm>>
      %dma_start3A_75 = tpu.memref_slice %arg3[%select_n3A, %select_n3A_34] : memref<4x2048xi32, #tpu.memory_space<hbm>> -> memref<1x128xi32, #tpu.memory_space<hbm>>
      %dma_start3A_76 = tpu.memref_squeeze %dma_start3A_75 : memref<1x128xi32, #tpu.memory_space<hbm>> -> memref<128xi32, #tpu.memory_space<hbm>>
      tpu.enqueue_dma source(%dma_start3A_76 : memref<128xi32, #tpu.memory_space<hbm>>) target(%arg5 : memref<128xi32, #tpu.memory_space<vmem>>) target_semaphore(%run_scoped3A : memref<!tpu.dma_semaphore, #tpu.memory_space<semaphore_mem>>)
      %dma_wait3A_77 = tpu.memref_slice %arg3[%select_n3A, %select_n3A_34] : memref<4x2048xi32, #tpu.memory_space<hbm>> -> memref<1x128xi32, #tpu.memory_space<hbm>>
      %dma_wait3A_78 = tpu.memref_squeeze %dma_wait3A_77 : memref<1x128xi32, #tpu.memory_space<hbm>> -> memref<128xi32, #tpu.memory_space<hbm>>
      %dma_wait3A_79 = tpu.memref_slice %arg3[%select_n3A, %select_n3A_34] : memref<4x2048xi32, #tpu.memory_space<hbm>> -> memref<1x128xi32, #tpu.memory_space<hbm>>
      %dma_wait3A_80 = tpu.memref_squeeze %dma_wait3A_79 : memref<1x128xi32, #tpu.memory_space<hbm>> -> memref<128xi32, #tpu.memory_space<hbm>>
      tpu.wait_dma2 semaphore(%run_scoped3A : memref<!tpu.dma_semaphore, #tpu.memory_space<semaphore_mem>>) src(%dma_wait3A_80 : memref<128xi32, #tpu.memory_space<hbm>>) dst(%arg5 : memref<128xi32, #tpu.memory_space<vmem>>)
      tpu.yield
    }) : () -> ()
    %dma_start3A = arith.constant 0 : i32
    %dma_start3A_35 = tpu.memref_slice %arg5[%dma_start3A] : memref<128xi32, #tpu.memory_space<vmem>> -> memref<64xi32, #tpu.memory_space<vmem>>
    %dma_start3A_36 = arith.constant 0 : i32
    %dma_start3A_37 = arith.constant 0 : i32
    %dma_start3A_38 = tpu.memref_slice %arg2[%dma_start3A_36, %dma_start3A_37] : memref<100000x512xf32, #tpu.memory_space<hbm>> -> memref<100000x512xf32, #tpu.memory_space<hbm>>
    tpu.enqueue_indirect_dma source(%dma_start3A_38 : memref<100000x512xf32, #tpu.memory_space<hbm>>) target(%arg6 : memref<64x512xf32, #tpu.memory_space<vmem>>) offsets(%dma_start3A_35 : memref<64xi32, #tpu.memory_space<vmem>>) semaphore(%arg9 : memref<!tpu.dma_semaphore, #tpu.memory_space<semaphore_mem>>)
    %dma_start3A_39 = arith.constant 64 : i32
    %dma_start3A_40 = tpu.memref_slice %arg5[%dma_start3A_39] : memref<128xi32, #tpu.memory_space<vmem>> -> memref<64xi32, #tpu.memory_space<vmem>>
    %dma_start3A_41 = arith.constant 0 : i32
    %dma_start3A_42 = arith.constant 0 : i32
    %dma_start3A_43 = tpu.memref_slice %arg2[%dma_start3A_41, %dma_start3A_42] : memref<100000x512xf32, #tpu.memory_space<hbm>> -> memref<100000x512xf32, #tpu.memory_space<hbm>>
    tpu.enqueue_indirect_dma source(%dma_start3A_43 : memref<100000x512xf32, #tpu.memory_space<hbm>>) target(%arg7 : memref<64x512xf32, #tpu.memory_space<vmem>>) offsets(%dma_start3A_40 : memref<64xi32, #tpu.memory_space<vmem>>) semaphore(%arg10 : memref<!tpu.dma_semaphore, #tpu.memory_space<semaphore_mem>>)
    %dma_wait3A = arith.constant 0 : i32
    %dma_wait3A_44 = tpu.memref_slice %arg5[%dma_wait3A] : memref<128xi32, #tpu.memory_space<vmem>> -> memref<64xi32, #tpu.memory_space<vmem>>
    %dma_wait3A_45 = arith.constant 0 : i32
    %dma_wait3A_46 = arith.constant 0 : i32
    %dma_wait3A_47 = tpu.memref_slice %arg2[%dma_wait3A_45, %dma_wait3A_46] : memref<100000x512xf32, #tpu.memory_space<hbm>> -> memref<100000x512xf32, #tpu.memory_space<hbm>>
    tpu.wait_indirect_dma semaphore(%arg9 : memref<!tpu.dma_semaphore, #tpu.memory_space<semaphore_mem>>) src(%dma_wait3A_47 : memref<100000x512xf32, #tpu.memory_space<hbm>>) dst(%arg6 : memref<64x512xf32, #tpu.memory_space<vmem>>)
    %add3A_48 = arith.constant 0 : i32
    %add3A_49 = arith.addi %mul3A_2, %add3A_48 : i32
    %dma_start3A_50 = arith.constant 0 : i32
    %dma_start3A_51 = tpu.memref_slice %arg4[%add3A_49, %dma_start3A_50] : memref<4096x512xf32, #tpu.memory_space<hbm>> -> memref<64x512xf32, #tpu.memory_space<hbm>>
    %dma_start3A_52 = arith.constant 0 : i32
    %dma_start3A_53 = tpu.memref_slice %arg4[%add3A_49, %dma_start3A_52] : memref<4096x512xf32, #tpu.memory_space<hbm>> -> memref<64x512xf32, #tpu.memory_space<hbm>>
    tpu.enqueue_dma source(%arg6 : memref<64x512xf32, #tpu.memory_space<vmem>>) target(%dma_start3A_53 : memref<64x512xf32, #tpu.memory_space<hbm>>) target_semaphore(%arg12 : memref<!tpu.dma_semaphore, #tpu.memory_space<semaphore_mem>>)
    %dma_wait3A_54 = arith.constant 64 : i32
    %dma_wait3A_55 = tpu.memref_slice %arg5[%dma_wait3A_54] : memref<128xi32, #tpu.memory_space<vmem>> -> memref<64xi32, #tpu.memory_space<vmem>>
    %dma_wait3A_56 = arith.constant 0 : i32
    %dma_wait3A_57 = arith.constant 0 : i32
    %dma_wait3A_58 = tpu.memref_slice %arg2[%dma_wait3A_56, %dma_wait3A_57] : memref<100000x512xf32, #tpu.memory_space<hbm>> -> memref<100000x512xf32, #tpu.memory_space<hbm>>
    tpu.wait_indirect_dma semaphore(%arg10 : memref<!tpu.dma_semaphore, #tpu.memory_space<semaphore_mem>>) src(%dma_wait3A_58 : memref<100000x512xf32, #tpu.memory_space<hbm>>) dst(%arg7 : memref<64x512xf32, #tpu.memory_space<vmem>>)
    %add3A_59 = arith.constant 64 : i32
    %add3A_60 = arith.addi %mul3A_2, %add3A_59 : i32
    %dma_start3A_61 = arith.constant 0 : i32
    %dma_start3A_62 = tpu.memref_slice %arg4[%add3A_60, %dma_start3A_61] : memref<4096x512xf32, #tpu.memory_space<hbm>> -> memref<64x512xf32, #tpu.memory_space<hbm>>
    %dma_start3A_63 = arith.constant 0 : i32
    %dma_start3A_64 = tpu.memref_slice %arg4[%add3A_60, %dma_start3A_63] : memref<4096x512xf32, #tpu.memory_space<hbm>> -> memref<64x512xf32, #tpu.memory_space<hbm>>
    tpu.enqueue_dma source(%arg7 : memref<64x512xf32, #tpu.memory_space<vmem>>) target(%dma_start3A_64 : memref<64x512xf32, #tpu.memory_space<hbm>>) target_semaphore(%arg13 : memref<!tpu.dma_semaphore, #tpu.memory_space<semaphore_mem>>)
    %dma_wait3A_65 = arith.constant 0 : i32
    %dma_wait3A_66 = tpu.memref_slice %arg4[%add3A_49, %dma_wait3A_65] : memref<4096x512xf32, #tpu.memory_space<hbm>> -> memref<64x512xf32, #tpu.memory_space<hbm>>
    %dma_wait3A_67 = arith.constant 0 : i32
    %dma_wait3A_68 = tpu.memref_slice %arg4[%add3A_49, %dma_wait3A_67] : memref<4096x512xf32, #tpu.memory_space<hbm>> -> memref<64x512xf32, #tpu.memory_space<hbm>>
    tpu.wait_dma2 semaphore(%arg12 : memref<!tpu.dma_semaphore, #tpu.memory_space<semaphore_mem>>) src(%arg6 : memref<64x512xf32, #tpu.memory_space<vmem>>) dst(%dma_wait3A_68 : memref<64x512xf32, #tpu.memory_space<hbm>>)
    %dma_wait3A_69 = arith.constant 0 : i32
    %dma_wait3A_70 = tpu.memref_slice %arg4[%add3A_60, %dma_wait3A_69] : memref<4096x512xf32, #tpu.memory_space<hbm>> -> memref<64x512xf32, #tpu.memory_space<hbm>>
    %dma_wait3A_71 = arith.constant 0 : i32
    %dma_wait3A_72 = tpu.memref_slice %arg4[%add3A_60, %dma_wait3A_71] : memref<4096x512xf32, #tpu.memory_space<hbm>> -> memref<64x512xf32, #tpu.memory_space<hbm>>
    tpu.wait_dma2 semaphore(%arg13 : memref<!tpu.dma_semaphore, #tpu.memory_space<semaphore_mem>>) src(%arg7 : memref<64x512xf32, #tpu.memory_space<vmem>>) dst(%dma_wait3A_72 : memref<64x512xf32, #tpu.memory_space<hbm>>)
    return
  }
}

module attributes {stable_mosaic.version = 14 : i64} {
  func.func @_mm_body_alias(%arg0: i32, %arg1: memref<2048x512xf32, #tpu.memory_space<vmem>>, %arg2: memref<768x512xf32, #tpu.memory_space<vmem>>, %arg3: memref<1x768xf32, #tpu.memory_space<vmem>>, %arg4: memref<4x2048x768xf32, #tpu.memory_space<any>>, %arg5: memref<1x2048x768xf32, #tpu.memory_space<vmem>>) attributes {dimension_semantics = [#tpu.dimension_semantics<arbitrary>], iteration_bounds = array<i64: 2>, scalar_prefetch = 0 : i64, scratch_operands = 0 : i64, tpu.core_type = #tpu.core_type<tc>, window_params = [{transform_indices = @transform_0, window_bounds = array<i64: 2048, 512>}, {pipeline_mode = #tpu.pipeline_mode<synchronous>, transform_indices = @transform_1, window_bounds = array<i64: 768, 512>}, {pipeline_mode = #tpu.pipeline_mode<synchronous>, transform_indices = @transform_2, window_bounds = array<i64: 1, 768>}, {}, {transform_indices = @transform_4, window_bounds = array<i64: 1, 2048, 768>}]} {
    %get3A = arith.constant 0 : index
    %get3A_0 = arith.constant 0 : index
    %get3A_1 = vector.load %arg1[%get3A, %get3A_0] : memref<2048x512xf32, #tpu.memory_space<vmem>>, vector<2048x512xf32>
    %get3A_2 = arith.constant 0 : index
    %get3A_3 = arith.constant 0 : index
    %get3A_4 = vector.load %arg2[%get3A_2, %get3A_3] : memref<768x512xf32, #tpu.memory_space<vmem>>, vector<768x512xf32>
    %dot_general3A = arith.constant dense<0.000000e+00> : vector<2048x768xf32>
    %dot_general3A_5 = tpu.matmul %get3A_1, %get3A_4, %dot_general3A {dimension_numbers = #tpu.dot_dimension_numbers<[1], [1], [0], [0], [0, 0, 1, 0], [], []>, transpose_lhs_hint = false} : vector<2048x512xf32>, vector<768x512xf32>, vector<2048x768xf32> -> vector<2048x768xf32>
    %get3A_6 = arith.constant 0 : index
    %get3A_7 = arith.constant 0 : index
    %get3A_8 = vector.load %arg3[%get3A_6, %get3A_7] : memref<1x768xf32, #tpu.memory_space<vmem>>, vector<1x768xf32>
    %add3A = vector.broadcast %get3A_8 : vector<1x768xf32> to vector<2048x768xf32>
    %add3A_9 = arith.addf %dot_general3A_5, %add3A : vector<2048x768xf32>
    %swap3A = arith.constant 0 : index
    %swap3A_10 = arith.constant 0 : index
    %swap3A_11 = arith.constant 0 : index
    %swap3A_12 = vector.load %arg5[%swap3A, %swap3A_10, %swap3A_11] : memref<1x2048x768xf32, #tpu.memory_space<vmem>>, vector<1x2048x768xf32>
    %swap3A_13 = vector.shape_cast %swap3A_12 : vector<1x2048x768xf32> to vector<2048x768xf32>
    %swap3A_14 = vector.shape_cast %add3A_9 : vector<2048x768xf32> to vector<1x2048x768xf32>
    tpu.vector_store %arg5[%swap3A, %swap3A_10, %swap3A_11], %swap3A_14 {strides = array<i32>} : memref<1x2048x768xf32, #tpu.memory_space<vmem>>, vector<1x2048x768xf32>,
    return
  }
  func.func @transform_0(%arg0: i32) -> (i32, i32) {
    %c0_i32 = arith.constant 0 : i32
    %c0_i32_0 = arith.constant 0 : i32
    return %arg0, %c0_i32 : i32, i32
  }
  func.func @transform_1(%arg0: i32) -> (i32, i32) {
    %c0_i32 = arith.constant 0 : i32
    %c0_i32_0 = arith.constant 0 : i32
    %c0_i32_1 = arith.constant 0 : i32
    return %c0_i32, %c0_i32_0 : i32, i32
  }
  func.func @transform_2(%arg0: i32) -> (i32, i32) {
    %c0_i32 = arith.constant 0 : i32
    %c0_i32_0 = arith.constant 0 : i32
    %c0_i32_1 = arith.constant 0 : i32
    return %c0_i32, %c0_i32_0 : i32, i32
  }
  func.func @transform_4(%arg0: i32) -> (i32, i32, i32) {
    %add3A = arith.constant 2 : i32
    %add3A_0 = arith.addi %add3A, %arg0 : i32
    %jit3A = arith.constant 1 : i32
    %div3A = arith.divsi %add3A_0, %jit3A : i32
    %sign3A = arith.constant 0 : i32
    %sign3A_1 = arith.cmpi sgt, %add3A_0, %sign3A : i32
    %sign3A_2 = arith.extui %sign3A_1 : i1 to i32
    %sign3A_3 = arith.constant 0 : i32
    %sign3A_4 = arith.cmpi slt, %add3A_0, %sign3A_3 : i32
    %sign3A_5 = arith.extui %sign3A_4 : i1 to i32
    %sign3A_6 = arith.subi %sign3A_2, %sign3A_5 : i32
    %sign3A_7 = arith.constant 0 : i32
    %sign3A_8 = arith.cmpi sgt, %jit3A, %sign3A_7 : i32
    %sign3A_9 = arith.extui %sign3A_8 : i1 to i32
    %sign3A_10 = arith.constant 0 : i32
    %sign3A_11 = arith.cmpi slt, %jit3A, %sign3A_10 : i32
    %sign3A_12 = arith.extui %sign3A_11 : i1 to i32
    %sign3A_13 = arith.subi %sign3A_9, %sign3A_12 : i32
    %ne3A = arith.cmpi ne, %sign3A_6, %sign3A_13 : i32
    %rem3A = arith.remsi %add3A_0, %jit3A : i32
    %ne3A_14 = arith.constant 0 : i32
    %ne3A_15 = arith.cmpi ne, %rem3A, %ne3A_14 : i32
    %and3A = arith.andi %ne3A, %ne3A_15 : i1
    %sub3A = arith.constant 1 : i32
    %sub3A_16 = arith.subi %div3A, %sub3A : i32
    %select_n3A = arith.select %and3A, %sub3A_16, %div3A : i32
    %add3A_17 = arith.constant 2 : i32
    %add3A_18 = arith.addi %add3A_17, %arg0 : i32
    %jit3A_19 = arith.constant 1 : i32
    %eq3A = arith.constant 0 : i32
    %eq3A_20 = arith.cmpi eq, %jit3A_19, %eq3A : i32
    %jit3A_21 = arith.constant 1 : i32
    %select_n3A_22 = arith.select %eq3A_20, %jit3A_21, %jit3A_19 : i32
    %rem3A_23 = arith.remsi %add3A_18, %select_n3A_22 : i32
    %ne3A_24 = arith.constant 0 : i32
    %ne3A_25 = arith.cmpi ne, %rem3A_23, %ne3A_24 : i32
    %lt3A = arith.constant 0 : i32
    %lt3A_26 = arith.cmpi slt, %rem3A_23, %lt3A : i32
    %lt3A_27 = arith.constant 0 : i32
    %lt3A_28 = arith.cmpi slt, %select_n3A_22, %lt3A_27 : i32
    %ne3A_29 = arith.xori %lt3A_26, %lt3A_28 : i1
    %and3A_30 = arith.andi %ne3A_29, %ne3A_25 : i1
    %add3A_31 = arith.addi %rem3A_23, %select_n3A_22 : i32
    %select_n3A_32 = arith.select %and3A_30, %add3A_31, %rem3A_23 : i32
    %c0_i32 = arith.constant 0 : i32
    %c0_i32_33 = arith.constant 0 : i32
    return %select_n3A, %select_n3A_32, %c0_i32 : i32, i32, i32
  }
}

module attributes {stable_mosaic.version = 14 : i64} {
  func.func @_mm_body(%arg0: i32, %arg1: memref<2048x512xf32, #tpu.memory_space<vmem>>, %arg2: memref<768x512xf32, #tpu.memory_space<vmem>>, %arg3: memref<1x768xf32, #tpu.memory_space<vmem>>, %arg4: memref<1x2048x768xf32, #tpu.memory_space<vmem>>) attributes {dimension_semantics = [#tpu.dimension_semantics<arbitrary>], iteration_bounds = array<i64: 2>, scalar_prefetch = 0 : i64, scratch_operands = 0 : i64, tpu.core_type = #tpu.core_type<tc>, window_params = [{transform_indices = @transform_0, window_bounds = array<i64: 2048, 512>}, {pipeline_mode = #tpu.pipeline_mode<synchronous>, transform_indices = @transform_1, window_bounds = array<i64: 768, 512>}, {pipeline_mode = #tpu.pipeline_mode<synchronous>, transform_indices = @transform_2, window_bounds = array<i64: 1, 768>}, {transform_indices = @transform_3, window_bounds = array<i64: 1, 2048, 768>}]} {
    %get3A = arith.constant 0 : index
    %get3A_0 = arith.constant 0 : index
    %get3A_1 = vector.load %arg1[%get3A, %get3A_0] : memref<2048x512xf32, #tpu.memory_space<vmem>>, vector<2048x512xf32>
    %get3A_2 = arith.constant 0 : index
    %get3A_3 = arith.constant 0 : index
    %get3A_4 = vector.load %arg2[%get3A_2, %get3A_3] : memref<768x512xf32, #tpu.memory_space<vmem>>, vector<768x512xf32>
    %dot_general3A = arith.constant dense<0.000000e+00> : vector<2048x768xf32>
    %dot_general3A_5 = tpu.matmul %get3A_1, %get3A_4, %dot_general3A {dimension_numbers = #tpu.dot_dimension_numbers<[1], [1], [0], [0], [0, 0, 1, 0], [], []>, transpose_lhs_hint = false} : vector<2048x512xf32>, vector<768x512xf32>, vector<2048x768xf32> -> vector<2048x768xf32>
    %get3A_6 = arith.constant 0 : index
    %get3A_7 = arith.constant 0 : index
    %get3A_8 = vector.load %arg3[%get3A_6, %get3A_7] : memref<1x768xf32, #tpu.memory_space<vmem>>, vector<1x768xf32>
    %add3A = vector.broadcast %get3A_8 : vector<1x768xf32> to vector<2048x768xf32>
    %add3A_9 = arith.addf %dot_general3A_5, %add3A : vector<2048x768xf32>
    %swap3A = arith.constant 0 : index
    %swap3A_10 = arith.constant 0 : index
    %swap3A_11 = arith.constant 0 : index
    %swap3A_12 = vector.load %arg4[%swap3A, %swap3A_10, %swap3A_11] : memref<1x2048x768xf32, #tpu.memory_space<vmem>>, vector<1x2048x768xf32>
    %swap3A_13 = vector.shape_cast %swap3A_12 : vector<1x2048x768xf32> to vector<2048x768xf32>
    %swap3A_14 = vector.shape_cast %add3A_9 : vector<2048x768xf32> to vector<1x2048x768xf32>
    tpu.vector_store %arg4[%swap3A, %swap3A_10, %swap3A_11], %swap3A_14 {strides = array<i32>} : memref<1x2048x768xf32, #tpu.memory_space<vmem>>, vector<1x2048x768xf32>,
    return
  }
  func.func @transform_0(%arg0: i32) -> (i32, i32) {
    %c0_i32 = arith.constant 0 : i32
    %c0_i32_0 = arith.constant 0 : i32
    return %arg0, %c0_i32 : i32, i32
  }
  func.func @transform_1(%arg0: i32) -> (i32, i32) {
    %c0_i32 = arith.constant 0 : i32
    %c0_i32_0 = arith.constant 0 : i32
    %c0_i32_1 = arith.constant 0 : i32
    return %c0_i32, %c0_i32_0 : i32, i32
  }
  func.func @transform_2(%arg0: i32) -> (i32, i32) {
    %c0_i32 = arith.constant 0 : i32
    %c0_i32_0 = arith.constant 0 : i32
    %c0_i32_1 = arith.constant 0 : i32
    return %c0_i32, %c0_i32_0 : i32, i32
  }
  func.func @transform_3(%arg0: i32) -> (i32, i32, i32) {
    %add3A = arith.constant 0 : i32
    %add3A_0 = arith.addi %add3A, %arg0 : i32
    %jit3A = arith.constant 1 : i32
    %div3A = arith.divsi %add3A_0, %jit3A : i32
    %sign3A = arith.constant 0 : i32
    %sign3A_1 = arith.cmpi sgt, %add3A_0, %sign3A : i32
    %sign3A_2 = arith.extui %sign3A_1 : i1 to i32
    %sign3A_3 = arith.constant 0 : i32
    %sign3A_4 = arith.cmpi slt, %add3A_0, %sign3A_3 : i32
    %sign3A_5 = arith.extui %sign3A_4 : i1 to i32
    %sign3A_6 = arith.subi %sign3A_2, %sign3A_5 : i32
    %sign3A_7 = arith.constant 0 : i32
    %sign3A_8 = arith.cmpi sgt, %jit3A, %sign3A_7 : i32
    %sign3A_9 = arith.extui %sign3A_8 : i1 to i32
    %sign3A_10 = arith.constant 0 : i32
    %sign3A_11 = arith.cmpi slt, %jit3A, %sign3A_10 : i32
    %sign3A_12 = arith.extui %sign3A_11 : i1 to i32
    %sign3A_13 = arith.subi %sign3A_9, %sign3A_12 : i32
    %ne3A = arith.cmpi ne, %sign3A_6, %sign3A_13 : i32
    %rem3A = arith.remsi %add3A_0, %jit3A : i32
    %ne3A_14 = arith.constant 0 : i32
    %ne3A_15 = arith.cmpi ne, %rem3A, %ne3A_14 : i32
    %and3A = arith.andi %ne3A, %ne3A_15 : i1
    %sub3A = arith.constant 1 : i32
    %sub3A_16 = arith.subi %div3A, %sub3A : i32
    %select_n3A = arith.select %and3A, %sub3A_16, %div3A : i32
    %add3A_17 = arith.constant 0 : i32
    %add3A_18 = arith.addi %add3A_17, %arg0 : i32
    %jit3A_19 = arith.constant 1 : i32
    %eq3A = arith.constant 0 : i32
    %eq3A_20 = arith.cmpi eq, %jit3A_19, %eq3A : i32
    %jit3A_21 = arith.constant 1 : i32
    %select_n3A_22 = arith.select %eq3A_20, %jit3A_21, %jit3A_19 : i32
    %rem3A_23 = arith.remsi %add3A_18, %select_n3A_22 : i32
    %ne3A_24 = arith.constant 0 : i32
    %ne3A_25 = arith.cmpi ne, %rem3A_23, %ne3A_24 : i32
    %lt3A = arith.constant 0 : i32
    %lt3A_26 = arith.cmpi slt, %rem3A_23, %lt3A : i32
    %lt3A_27 = arith.constant 0 : i32
    %lt3A_28 = arith.cmpi slt, %select_n3A_22, %lt3A_27 : i32
    %ne3A_29 = arith.xori %lt3A_26, %lt3A_28 : i1
    %and3A_30 = arith.andi %ne3A_29, %ne3A_25 : i1
    %add3A_31 = arith.addi %rem3A_23, %select_n3A_22 : i32
    %select_n3A_32 = arith.select %and3A_30, %add3A_31, %rem3A_23 : i32
    %c0_i32 = arith.constant 0 : i32
    %c0_i32_33 = arith.constant 0 : i32
    return %select_n3A, %select_n3A_32, %c0_i32 : i32, i32, i32
  }
}

</mosaic_0001>

<sc_bundles>
// kernel: kernel.6.cloned.1.call-start
scs
__scs_entry_jumppad:
0x0: {  	(pc) =	sbr.rel $0x88, $3  }
0x1: {  	(tag) =	ssettag $0x0;
	lr =	simm.s32 $0x1  }
0x2: {  	[smem:$0x3F9D] =	sst lr;
	_ =	strace $0xD0000000  }
0x3: {  	_ = 	snop  }
0x4: {  	_ = 	snop  }
0x5: {  	_ = 	snop  }
0x6: {  	_ = 	snop  }
0x7: {  	_ = 	snop  }
__scs_overlays_trampoline_lowered:
0x8: {  	[smem:$0x3FAC] =	sst s0  }
0x9: {  	[smem:$0x3FAD] =	sst s1  }
0xa: {  	[smem:$0x3FAE] =	sst s2  }
0xb: {  	[smem:$0x3FAF] =	sst s3  }
0xc: {  	[smem:$0x3FB0] =	sst s4  }
0xd: {  	[smem:$0x3FB1] =	sst s5  }
0xe: {  	[smem:$0x3FB2] =	sst s6  }
0xf: {  	[smem:$0x3FB3] =	sst s7  }
0x10: {  	[smem:$0x3FB4] =	sst s8  }
0x11: {  	[smem:$0x3FB5] =	sst s9;
	s0 =	simm.s32 @!p0 $0x0  }
0x12: {  	s1 =	sld [smem:$0x3F9B];
	s0 =	simm.s32 @p0 $0x1  }
0x13: {  	[smem:$0x3FB6] =	sst s0;
	s0 =	simm.s32 @!p1 $0x0  }
0x14: {  	s2 =	sld [smem:$0x3F9A];
	s0 =	simm.s32 @p1 $0x1  }
0x15: {  	[smem:$0x3FB7] =	sst s0;
	s0 =	simm.s32 @!p2 $0x0  }
0x16: {  	s3 =	sld [smem:$0x3FDB];
	s0 =	simm.s32 @p2 $0x1  }
0x17: {  	s4 =	simm.s32 $0x1BF5;
	[smem:$0x3FB9] =	sst s0  }
0x18: {  	s0 =	sld [smem:$0x3F9C];
	_ =	swait.ge [sflag:s4], $0x0  }
0x19: {  	s7 =	sld [smem:$0x3F9D]  }
0x1a: {  	s8 =	sadd.s32 $0xFFFFE003, lr  }
0x1b: {  	s9 =	sadd.s32 $0xFFFFFEF7, lr;
	s5 =	simm.s32 $0xFFFFFFFF;
	p2 =	slt.u32 s8, $0xFFFFF086  }
0x1c: {  	p1 =	slt.u32 s9, $0xF7A;
	s5 =	simm.s32 @!p2 $0x0  }
0x1d: {  	s5 =	simm.s32 @p1 $0x1;
	p0 =	seq.s32 s7, s2  }
0x1e: {  	s7 =	smul.u32 @!p0 $0xF7A, s2;
	p2 =	seq.s32 @!p0 s5, $0x0  }
0x1f: {  	s9 =	smul.u32 $0xF7A, s1;
	s8 =	simm.s32 @!p0 $0x1BF5;
	p2 =	por !p2, p0  }
0x20: {  	[sflag:s8] =	ssyncset.s32 @!p0 $0xFFFFF086;
	s6 =	sadd.s32 @!p0 s3, s7;
	s7 =	simm.s32 @!p0 $0x108  }
0x21: {  	s3 =	sadd.s32 s3, s9;
	s6 =	sadd.s32 @!p0 $0x88, s6;
	s7 =	simm.s32 @p2 $0x1082  }
0x22: {  	[simem:s7], [sflag:s8] =	dma.local @!p0 [hbm:s6], $0xF7A  }
0x23: {  	s9 =	sor.u32 $0xD0000000, s2;
	s6 =	simm.s32 $0x108;
	_ =	swait.ge @!p0 [sflag:s8], $0x0  }
0x24: {  	s3 =	sadd.s32 $0x88, s3;
	s6 =	simm.s32 @!p1 $0x1082;
	[sflag:s4] =	ssyncset.s32 $0xFFFFF086  }
0x25: {  	[simem:s6], [sflag:s4] =	dma.local [hbm:s3], $0xF7A  }
0x26: {  	[smem:$0x3F9D] =	sst s1;
	(tag) =	ssettag s2;
	_ =	strace s9  }
0x27: {  	s1 =	sld [smem:$0x3FAD]  }
0x28: {  	s2 =	sld [smem:$0x3FAE]  }
0x29: {  	s4 =	sld [smem:$0x3FB0]  }
0x2a: {  	p0 =	seq.s32 s5, $0x0;
	s5 =	sld [smem:$0x3FB1]  }
0x2b: {  	s6 =	sld [smem:$0x3FB2]  }
0x2c: {  	s7 =	sld [smem:$0x3FB3]  }
0x2d: {  	s3 =	simm.s32 $0x108;
	s8 =	sld [smem:$0x3FB4]  }
0x2e: {  	s3 =	simm.s32 @!p0 $0x1082;
	s9 =	sld [smem:$0x3FB5]  }
0x2f: {  	lr =	sadd.s32 s0, s3;
	s0 =	sld [smem:$0x3FAC]  }
0x30: {  	s3 =	sld [smem:$0x3FAF]  }
0x31: {  	[smem:$0x3FB8] =	sst s10  }
0x32: {  	s10 =	sld [smem:$0x3FB6];
	_ =	sdelay $0x3  }
0x33: {  	p0 =	seq.s32 s10, $0x1;
	s10 =	sld [smem:$0x3FB8];
	_ =	sdelay $0x3  }
0x34: {  	[smem:$0x3FB8] =	sst s10  }
0x35: {  	s10 =	sld [smem:$0x3FB7];
	_ =	sdelay $0x3  }
0x36: {  	p1 =	seq.s32 s10, $0x1;
	s10 =	sld [smem:$0x3FB8];
	_ =	sdelay $0x3  }
0x37: {  	[smem:$0x3FB8] =	sst s10  }
0x38: {  	s10 =	sld [smem:$0x3FB9]  }
0x39: {  	_ = 	snop;
	(pc) =	sbr.ind lr, $3  }
0x3a: {  	_ = 	snop  }
0x3b: {  	_ = 	snop  }
0x3c: {  	p2 =	seq.s32 s10, $0x1;
	s10 =	sld [smem:$0x3FB8]  }
0x3d: {  	_ =	shalt  }
0x3e: {  	_ =	shalt  }
0x3f: {  	_ =	shalt  }
0x40: {  	_ =	shalt  }
0x41: {  	_ =	shalt  }
0x42: {  	_ =	shalt  }
0x43: {  	_ =	shalt  }
0x44: {  	_ =	shalt  }
0x45: {  	_ =	shalt  }
0x46: {  	_ =	shalt  }
0x47: {  	_ =	shalt  }
0x48: {  	_ =	shalt  }
0x49: {  	_ =	shalt  }
0x4a: {  	_ =	shalt  }
0x4b: {  	_ =	shalt  }
0x4c: {  	_ =	shalt  }
0x4d: {  	_ =	shalt  }
0x4e: {  	_ =	shalt  }
0x4f: {  	_ =	shalt  }
0x50: {  	_ =	shalt  }
0x51: {  	_ =	shalt  }
0x52: {  	_ =	shalt  }
0x53: {  	_ =	shalt  }
0x54: {  	_ =	shalt  }
0x55: {  	_ =	shalt  }
0x56: {  	_ =	shalt  }
0x57: {  	_ =	shalt  }
0x58: {  	_ =	shalt  }
0x59: {  	_ =	shalt  }
0x5a: {  	_ =	shalt  }
0x5b: {  	_ =	shalt  }
0x5c: {  	_ =	shalt  }
0x5d: {  	_ =	shalt  }
0x5e: {  	_ =	shalt  }
0x5f: {  	_ =	shalt  }
0x60: {  	_ =	shalt  }
0x61: {  	_ =	shalt  }
0x62: {  	_ =	shalt  }
0x63: {  	_ =	shalt  }
0x64: {  	_ =	shalt  }
0x65: {  	_ =	shalt  }
0x66: {  	_ =	shalt  }
0x67: {  	_ =	shalt  }
0x68: {  	_ =	shalt  }
0x69: {  	_ =	shalt  }
0x6a: {  	_ =	shalt  }
0x6b: {  	_ =	shalt  }
0x6c: {  	_ =	shalt  }
0x6d: {  	_ =	shalt  }
0x6e: {  	_ =	shalt  }
0x6f: {  	_ =	shalt  }
0x70: {  	_ =	shalt  }
0x71: {  	_ =	shalt  }
0x72: {  	_ =	shalt  }
0x73: {  	_ =	shalt  }
0x74: {  	_ =	shalt  }
0x75: {  	_ =	shalt  }
0x76: {  	_ =	shalt  }
0x77: {  	_ =	shalt  }
0x78: {  	_ =	shalt  }
0x79: {  	_ =	shalt  }
0x7a: {  	_ =	shalt  }
0x7b: {  	_ =	shalt  }
0x7c: {  	_ =	shalt  }
0x7d: {  	_ =	shalt  }
0x7e: {  	_ =	shalt  }
0x7f: {  	_ =	shalt  }
0x80: {  	_ =	shalt  }
0x81: {  	_ =	shalt  }
0x82: {  	_ =	shalt  }
0x83: {  	_ =	shalt  }
0x84: {  	_ =	shalt  }
0x85: {  	_ =	shalt  }
0x86: {  	_ =	shalt  }
0x87: {  	_ =	shalt  }
.Lfunc_end0:
.L_simem_size_0:
called_computation_lowered:
.L_overlay_start_0:
0x88: {  	s2 =	sld [smem:$0x3FD9]  }
0x89: {  	s3 =	sld [smem:$0x3FFE];
	_ =	sdelay $0x1  }
0x8a: {  	s1 =	srdreg.scid  }
0x8b: {  	s0 =	sand.u32 $0x1, s1  }
0x8c: {  	s18 =	sshll.u32 s0, $0xA;
	s2 =	sadd.s32 s3, s2  }
0x8d: {  	s2 =	sadd.s32 s2, s18  }
0x8e: {  	[smem:$0x3FC4] =	sst s2  }
0x8f: {  	_ = 	snop  }
0x90: {  	s2 =	sld [smem:$0x3FC9]  }
0x91: {  	s19 =	sld [smem:$0x3FC8]  }
0x92: {  	s4 =	sld [smem:$0x3FD0];
	(tm) =	ssettm $0x1  }
0x93: {  	s5 =	sld [smem:$0x3FFB];
	_ =	sdelay $0x3  }
0x94: {  	_ =	strace s5  }
0x95: {  	s5 =	sld [smem:$0x3FFC];
	_ =	sdelay $0x3  }
0x96: {  	_ =	strace s5  }
0x97: {  	s5 =	sld [smem:$0x3FFD];
	_ =	sdelay $0x3  }
0x98: {  	_ =	strace s5  }
0x99: {  	_ =	strace $0x8FFFFFFF  }
0x9a: {  	s20 =	sld [smem:$0x3FDB];
	_ =	sdelay $0x1  }
0x9b: {  	s6 =	simm.s32 $_scs_section_size  }
0x9c: {  	s7 =	simm.s32 $_size__tile_overlayer_lowered;
	s8 =	simm.s32 $_tile_overlayer_lowered  }
0x9d: {  	s23 =	simm.s32 $0x1BFF;
	s22 =	sshll.u32 s8, $0x1;
	s5 =	sadd.s32 s6, s20  }
0x9e: {  	s9 =	simm.s32 $0x0;
	s21 =	sshll.u32 s7, $0x1;
	s7 =	sadd.s32 s22, s5  }
0x9f: {  	[timem:s9], [sflag:s23] =	dma.local [hbm:s7], s21  }
0xa0: {  	_ =	swait.ge [sflag:s23], s21  }
0xa1: {  	s6 =	ssub.s32 $0x0, s21;
	[sflag:s23] =	ssyncset.done $0x0  }
0xa2: {  	[sflag:s23] =	ssyncadd.s32 s6;
	_ =	sdelay $0x1  }
0xa3: {  	s24 =	simm.s32 $0x1B8B  }
0xa4: {  	_ =	swait.ge [sflag:s24], $0x1  }
0xa5: {  	[sflag:s24] =	ssyncset.done $0x0  }
0xa6: {  	s25 =	simm.s32 $0x1B8E;
	[sflag:s24] =	ssyncadd.s32 $0xFFFFFFFF  }
0xa7: {  	s26 =	simm.s32 $execute0_lowered;
	[smem:$0x3FD2] =	sst s25  }
0xa8: {  	s6 =	sshll.u32 s26, $0x1;
	_ =	strace $0x80000046;
	[dreg:$0x1] =	wrdreg $0xFFFFFFFF  }
0xa9: {  	s28 =	simm.s32 $_size_execute0_lowered;
	s5 =	sadd.s32 s5, s6;
	[dreg:$0x0] =	wrdreg $0x0  }
0xaa: {  	s6 =	sshll.u32 s28, $0x1;
	[dreg:$0x2] =	wrdreg s5  }
0xab: {  	[dreg:$0x3] =	wrdreg s6  }
0xac: {  	[dreg:$0x4] =	wrdreg $0xC0  }
0xad: {  	_ =	task [dreg:s9], $0x5FFFF  }
0xae: {  	[dreg:$0x1] =	wrdreg $0xFFFFFFFF  }
0xaf: {  	[dreg:$0x0] =	wrdreg $0x60  }
0xb0: {  	[dreg:$0x2] =	wrdreg s19  }
0xb1: {  	[dreg:$0x3] =	wrdreg s2  }
0xb2: {  	[dreg:$0x4] =	wrdreg s4  }
0xb3: {  	[dreg:$0x5] =	wrdreg $0x9  }
0xb4: {  	_ =	task.clear_ibuf [dreg:s9], $0x6FFFF;
	_ =	strace $0x90000046  }
0xb5: {  	s29 =	simm.s32 $0x9;
	_ =	strace $0x80000048  }
0xb6: {  	_ =	swait.ge [sflag:s29], $0x1  }
0xb7: {  	[sflag:s29] =	ssyncadd.s32 $0xFFFFFFFF  }
0xb8: {  	_ =	strace $0x90000048  }
0xb9: {  	_ =	sfence  }
0xba: {  	s30 =	sld [smem:$0x0];
	_ =	sdelay $0x2  }
0xbb: {  	s31 =	sshll.u32 s1, $0xD;
	s1 =	sshrl.u32 s1, $0x2  }
0xbc: {  	s3 =	sand.u32 $0x4000, s31;
	s1 =	sadd.s32 s1, s30  }
0xbd: {  	s0 =	sor.u32 s3, s0;
	s1 =	sshll.u32 s1, $0x11  }
0xbe: {  	s0 =	sor.u32 s1, s0  }
0xbf: {  	s0 =	sadd.s32 $0x8F2B, s0  }
0xc0: {  	[sflag:s0] =	ssyncadd.remote.s32 $0x1  }
0xc1: {  	_ =	sfence.sel $0xFFFF  }
0xc2: {  	[dreg:$0x0] =	wrdreg $0xFFFFFFFF;
	(pc) =	sbr.abs _section_cstart, $3  }
0xc3: {  	[dreg:$0x1] =	wrdreg $0xFFFFFFFF  }
0xc4: {  	_ =	task.clear_ibuf [dreg:s9], $0x2FFFF;
	_ =	strace $0x9FFFFFFF  }
0xc5: {  	(tm) =	ssettm $0x7FFFFFFF  }
tec
execute0_lowered:
.L_overlay_start_1:
0x0: {  	(tag) =	ssettag $0x1  }
0x1: {  	s1 =	srdreg.scid  }
0x2: {  	s0 =	stileid.u32;
	s5 =	rddreg [dreg:$0x1];
	s2 =	sand.u32 $0x1, s1  }
0x3: {  	s7 =	rddreg [dreg:$0x2];
	s3 =	sshll.u32 s0, $0x8;
	s4 =	sshll.u32 s2, $0x7  }
0x4: {  	s14 =	simm.s32 $0x880;
	s1 =	rddreg [dreg:$0x0];
	s4 =	sor.u32 s4, s3  }
0x5: {  	s6 =	sshll.u32 s0, $0x4;
	s3 =	sshll.u32 s4, $0x2;
	s4 =	sshll.u32 s4, $0x6  }
0x6: {  	s6 =	sor.u32 s6, s3;
	s3 =	simm.s32 $0x0;
	s4 =	sadd.s32 s7, s4  }
0x7: {  	s15 =	simm.s32 $0x1080;
	[smem:$0x7FF] =	sst s3;
	s13 =	sadd.s32 $0x1000, s4  }
0x8: {  	s16 =	simm.s32 $0x1880;
	_ =	strace $0x80000047;
	[dreg:$0x5] =	wrdreg s13  }
0x9: {  	s17 =	simm.s32 $0x2080;
	s18 =	simm.s32 $0x2880;
	[dreg:$0x6] =	wrdreg s14  }
0xa: {  	s19 =	simm.s32 $0x3080;
	s21 =	simm.s32 $0x3880;
	[dreg:$0x7] =	wrdreg s15  }
0xb: {  	s22 =	simm.s32 $0x4080;
	s23 =	simm.s32 $0x4880;
	[dreg:$0x8] =	wrdreg s16  }
0xc: {  	s24 =	simm.s32 $0x5080;
	s25 =	simm.s32 $0x5880;
	[dreg:$0x9] =	wrdreg s17  }
0xd: {  	s8 =	simm.s32 $0x80;
	s26 =	simm.s32 $0x6080;
	[dreg:$0xa] =	wrdreg s18  }
0xe: {  	s10 =	simm.s32 $0x7080;
	s11 =	simm.s32 $0x7880;
	[dreg:$0xb] =	wrdreg s19  }
0xf: {  	s12 =	simm.s32 $0x8080;
	s28 =	simm.s32 $0xF880;
	[dreg:$0xc] =	wrdreg s21  }
0x10: {  	s29 =	simm.s32 $0x1;
	s2 =	ssub.s32 $0x2, s2;
	[dreg:$0xd] =	wrdreg s22  }
0x11: {  	s30 =	simm.s32 $0x2;
	s20 =	sshrl.u32 s2, $0x1;
	[dreg:$0xe] =	wrdreg s23  }
0x12: {  	s31 =	simm.s32 $0x3;
	s2 =	ssub.s32 s2, s20;
	[dreg:$0xf] =	wrdreg s24  }
0x13: {  	s20 =	simm.s32 $0xC080;
	s6 =	sand.u32 $0x1E80, s6;
	[dreg:$0x10] =	wrdreg s25  }
0x14: {  	s7 =	simm.s32 $0x5;
	s6 =	sshrl.u32 s6, $0x3;
	[dreg:$0x11] =	wrdreg s26  }
0x15: {  	s13 =	simm.s32 $0x8880;
	s14 =	simm.s32 $0x9080;
	s15 =	simm.s32 $0x9880  }
0x16: {  	s16 =	simm.s32 $0xA080;
	s17 =	simm.s32 $0xA880;
	s18 =	simm.s32 $0xB080  }
0x17: {  	s19 =	simm.s32 $0xB880;
	s21 =	simm.s32 $0xC880;
	s22 =	simm.s32 $0xD080  }
0x18: {  	v2 =	vlaneseq.u32;
	s23 =	simm.s32 $0xD880;
	s24 =	simm.s32 $0xE080;
	s25 =	simm.s32 $0xE880  }
0x19: {  	vm0 =	vmmov $0xffff;
	v1 =	vshrl.u32 v2, $0x3;
	s26 =	simm.s32 $0xF080;
	s5 =	sadd.s32 s5, s6;
	s6 =	smax.u32 s2, $0x1  }
0x1a: {  	v0 =	vand.u32 $0x7, v2;
	v2 =	vor.u32 $0x8, v2;
	v1 =	vmul.u32 $0x8, v1;
	s2 =	simm.s32 $0x4;
	[dreg:$0x4] =	wrdreg s5;
	s5 =	sadd.s32 $0x100, s1  }
.LBB2_1:
0x1b: {  	s0 =	rddreg [dreg:$0x4]  }
0x1c: {  	[tilespmem:s3], [sflag:$0x5] =	stream.linear.gather [hbm4b:s0+s3], $0x80, $0x38;
	[tilespmem:$0x10080] =	vst v63  }
0x1d: {  	_ =	swait.ge [sflag:s7], $0x80  }
0x1e: {  	[sflag:s7] =	ssyncset.done $0x0  }
0x1f: {  	[sflag:s7] =	ssyncadd.s32 $0xFFFFFF80  }
0x20: {  	v3 =	vld [tilespmem:$0x0];
	_ =	sdelay $0x4  }
0x21: {  	v4 =	vshll.u32 v3, $0x2  }
0x22: {  	v3 =	vand.u32 $0x7, v3;
	v4 =	vand.u32 $0xFFFFFFE0, v4  }
0x23: {  	v3 =	vor.u32 v3, v4  }
0x24: {  	v4 =	vperm.xlane v3, v0;
	_ =	sdelay $0x1  }
0x25: {  	v4 =	vadd.s32 v1, v4;
	_ =	sdelay $0x1  }
0x26: {  	v3 =	vperm.xlane v3, v2;
	_ =	sdelay $0x1  }
0x27: {  	v3 =	vadd.s32 v1, v3  }
0x28: {  	[tilespmem:s8], [sflag:$0x1] =	stream.indirect_vreg.gather [hbm4b:s1+s3], $0x80, v4, vm0, $0xb8;
	[tilespmem:$0x10080] =	vst v63  }
0x29: {  	s0 =	rddreg [dreg:$0x6]  }
0x2a: {  	[tilespmem:s0], [sflag:$0x1] =	stream.indirect_vreg.gather [hbm4b:s5+s3], $0x80, v4, vm0, $0xb8;
	[tilespmem:$0x10080] =	vst v63  }
0x2b: {  	s9 =	rddreg [dreg:$0x7]  }
0x2c: {  	[tilespmem:s9], [sflag:$0x1] =	stream.indirect_vreg.gather [hbm4b:s1+s3], $0x80, v3, vm0, $0xb8;
	[tilespmem:$0x10080] =	vst v63  }
0x2d: {  	s0 =	rddreg [dreg:$0x8]  }
0x2e: {  	[tilespmem:s0], [sflag:$0x1] =	stream.indirect_vreg.gather [hbm4b:s5+s3], $0x80, v3, vm0, $0xb8;
	[tilespmem:$0x10080] =	vst v63  }
0x2f: {  	v3 =	vld [tilespmem:$0x10];
	_ =	sdelay $0x4  }
0x30: {  	v57 =	vshll.u32 v3, $0x2  }
0x31: {  	v3 =	vand.u32 $0x7, v3;
	v4 =	vand.u32 $0xFFFFFFE0, v57  }
0x32: {  	v3 =	vor.u32 v3, v4  }
0x33: {  	v4 =	vperm.xlane v3, v0;
	_ =	sdelay $0x1  }
0x34: {  	v4 =	vadd.s32 v1, v4;
	_ =	sdelay $0x1  }
0x35: {  	v3 =	vperm.xlane v3, v2;
	_ =	sdelay $0x1  }
0x36: {  	s0 =	rddreg [dreg:$0x9];
	v3 =	vadd.s32 v1, v3  }
0x37: {  	[tilespmem:s0], [sflag:$0x1] =	stream.indirect_vreg.gather [hbm4b:s1+s3], $0x80, v4, vm0, $0xb8;
	[tilespmem:$0x10080] =	vst v63  }
0x38: {  	s9 =	rddreg [dreg:$0xa]  }
0x39: {  	[tilespmem:s9], [sflag:$0x1] =	stream.indirect_vreg.gather [hbm4b:s5+s3], $0x80, v4, vm0, $0xb8;
	[tilespmem:$0x10080] =	vst v63  }
0x3a: {  	s0 =	rddreg [dreg:$0xb]  }
0x3b: {  	[tilespmem:s0], [sflag:$0x1] =	stream.indirect_vreg.gather [hbm4b:s1+s3], $0x80, v3, vm0, $0xb8;
	[tilespmem:$0x10080] =	vst v63  }
0x3c: {  	s9 =	rddreg [dreg:$0xc]  }
0x3d: {  	[tilespmem:s9], [sflag:$0x1] =	stream.indirect_vreg.gather [hbm4b:s5+s3], $0x80, v3, vm0, $0xb8;
	[tilespmem:$0x10080] =	vst v63  }
0x3e: {  	v3 =	vld [tilespmem:$0x20];
	_ =	sdelay $0x4  }
0x3f: {  	v58 =	vshll.u32 v3, $0x2  }
0x40: {  	v3 =	vand.u32 $0x7, v3;
	v4 =	vand.u32 $0xFFFFFFE0, v58  }
0x41: {  	v3 =	vor.u32 v3, v4  }
0x42: {  	v4 =	vperm.xlane v3, v0;
	_ =	sdelay $0x1  }
0x43: {  	v4 =	vadd.s32 v1, v4;
	_ =	sdelay $0x1  }
0x44: {  	v3 =	vperm.xlane v3, v2;
	_ =	sdelay $0x1  }
0x45: {  	s0 =	rddreg [dreg:$0xd];
	v3 =	vadd.s32 v1, v3  }
0x46: {  	[tilespmem:s0], [sflag:$0x1] =	stream.indirect_vreg.gather [hbm4b:s1+s3], $0x80, v4, vm0, $0xb8;
	[tilespmem:$0x10080] =	vst v63  }
0x47: {  	s9 =	rddreg [dreg:$0xe]  }
0x48: {  	[tilespmem:s9], [sflag:$0x1] =	stream.indirect_vreg.gather [hbm4b:s5+s3], $0x80, v4, vm0, $0xb8;
	[tilespmem:$0x10080] =	vst v63  }
0x49: {  	s0 =	rddreg [dreg:$0xf]  }
0x4a: {  	[tilespmem:s0], [sflag:$0x1] =	stream.indirect_vreg.gather [hbm4b:s1+s3], $0x80, v3, vm0, $0xb8;
	[tilespmem:$0x10080] =	vst v63  }
0x4b: {  	s9 =	rddreg [dreg:$0x10]  }
0x4c: {  	[tilespmem:s9], [sflag:$0x1] =	stream.indirect_vreg.gather [hbm4b:s5+s3], $0x80, v3, vm0, $0xb8;
	[tilespmem:$0x10080] =	vst v63  }
0x4d: {  	v3 =	vld [tilespmem:$0x30];
	_ =	sdelay $0x4  }
0x4e: {  	v59 =	vshll.u32 v3, $0x2  }
0x4f: {  	v3 =	vand.u32 $0x7, v3;
	v4 =	vand.u32 $0xFFFFFFE0, v59  }
0x50: {  	v3 =	vor.u32 v3, v4  }
0x51: {  	v4 =	vperm.xlane v3, v0;
	_ =	sdelay $0x1  }
0x52: {  	v4 =	vadd.s32 v1, v4;
	_ =	sdelay $0x1  }
0x53: {  	v3 =	vperm.xlane v3, v2;
	_ =	sdelay $0x1  }
0x54: {  	s9 =	rddreg [dreg:$0x11];
	v3 =	vadd.s32 v1, v3  }
0x55: {  	[tilespmem:s9], [sflag:$0x1] =	stream.indirect_vreg.gather [hbm4b:s1+s3], $0x80, v4, vm0, $0xb8;
	[tilespmem:$0x10080] =	vst v63  }
0x56: {  	s9 =	simm.s32 $0x6880  }
0x57: {  	[tilespmem:s9], [sflag:$0x1] =	stream.indirect_vreg.gather [hbm4b:s5+s3], $0x80, v4, vm0, $0xb8;
	[tilespmem:$0x10080] =	vst v63  }
0x58: {  	_ = 	snop  }
0x59: {  	[tilespmem:s10], [sflag:$0x1] =	stream.indirect_vreg.gather [hbm4b:s1+s3], $0x80, v3, vm0, $0xb8;
	[tilespmem:$0x10080] =	vst v63  }
0x5a: {  	_ = 	snop  }
0x5b: {  	[tilespmem:s11], [sflag:$0x1] =	stream.indirect_vreg.gather [hbm4b:s5+s3], $0x80, v3, vm0, $0xb8;
	[tilespmem:$0x10080] =	vst v63  }
0x5c: {  	v3 =	vld [tilespmem:$0x40];
	_ =	sdelay $0x4  }
0x5d: {  	v60 =	vshll.u32 v3, $0x2  }
0x5e: {  	v3 =	vand.u32 $0x7, v3;
	v4 =	vand.u32 $0xFFFFFFE0, v60  }
0x5f: {  	v3 =	vor.u32 v3, v4  }
0x60: {  	v4 =	vperm.xlane v3, v0;
	_ =	sdelay $0x1  }
0x61: {  	v4 =	vadd.s32 v1, v4;
	_ =	sdelay $0x1  }
0x62: {  	v3 =	vperm.xlane v3, v2;
	_ =	sdelay $0x1  }
0x63: {  	v3 =	vadd.s32 v1, v3  }
0x64: {  	[tilespmem:s12], [sflag:$0x2] =	stream.indirect_vreg.gather [hbm4b:s1+s3], $0x80, v4, vm0, $0xb8;
	[tilespmem:$0x10080] =	vst v63  }
0x65: {  	_ = 	snop  }
0x66: {  	[tilespmem:s13], [sflag:$0x2] =	stream.indirect_vreg.gather [hbm4b:s5+s3], $0x80, v4, vm0, $0xb8;
	[tilespmem:$0x10080] =	vst v63  }
0x67: {  	_ = 	snop  }
0x68: {  	[tilespmem:s14], [sflag:$0x2] =	stream.indirect_vreg.gather [hbm4b:s1+s3], $0x80, v3, vm0, $0xb8;
	[tilespmem:$0x10080] =	vst v63  }
0x69: {  	_ = 	snop  }
0x6a: {  	[tilespmem:s15], [sflag:$0x2] =	stream.indirect_vreg.gather [hbm4b:s5+s3], $0x80, v3, vm0, $0xb8;
	[tilespmem:$0x10080] =	vst v63  }
0x6b: {  	v3 =	vld [tilespmem:$0x50];
	_ =	sdelay $0x4  }
0x6c: {  	v61 =	vshll.u32 v3, $0x2  }
0x6d: {  	v3 =	vand.u32 $0x7, v3;
	v4 =	vand.u32 $0xFFFFFFE0, v61  }
0x6e: {  	v3 =	vor.u32 v3, v4  }
0x6f: {  	v4 =	vperm.xlane v3, v0;
	_ =	sdelay $0x1  }
0x70: {  	v4 =	vadd.s32 v1, v4;
	_ =	sdelay $0x1  }
0x71: {  	v3 =	vperm.xlane v3, v2;
	_ =	sdelay $0x1  }
0x72: {  	v3 =	vadd.s32 v1, v3  }
0x73: {  	[tilespmem:s16], [sflag:$0x2] =	stream.indirect_vreg.gather [hbm4b:s1+s3], $0x80, v4, vm0, $0xb8;
	[tilespmem:$0x10080] =	vst v63  }
0x74: {  	_ = 	snop  }
0x75: {  	[tilespmem:s17], [sflag:$0x2] =	stream.indirect_vreg.gather [hbm4b:s5+s3], $0x80, v4, vm0, $0xb8;
	[tilespmem:$0x10080] =	vst v63  }
0x76: {  	_ = 	snop  }
0x77: {  	[tilespmem:s18], [sflag:$0x2] =	stream.indirect_vreg.gather [hbm4b:s1+s3], $0x80, v3, vm0, $0xb8;
	[tilespmem:$0x10080] =	vst v63  }
0x78: {  	_ = 	snop  }
0x79: {  	[tilespmem:s19], [sflag:$0x2] =	stream.indirect_vreg.gather [hbm4b:s5+s3], $0x80, v3, vm0, $0xb8;
	[tilespmem:$0x10080] =	vst v63  }
0x7a: {  	v3 =	vld [tilespmem:$0x60];
	_ =	sdelay $0x4  }
0x7b: {  	v62 =	vshll.u32 v3, $0x2  }
0x7c: {  	v3 =	vand.u32 $0x7, v3;
	v4 =	vand.u32 $0xFFFFFFE0, v62  }
0x7d: {  	v3 =	vor.u32 v3, v4  }
0x7e: {  	v4 =	vperm.xlane v3, v0;
	_ =	sdelay $0x1  }
0x7f: {  	v4 =	vadd.s32 v1, v4;
	_ =	sdelay $0x1  }
0x80: {  	v3 =	vperm.xlane v3, v2;
	_ =	sdelay $0x1  }
0x81: {  	v3 =	vadd.s32 v1, v3  }
0x82: {  	[tilespmem:s20], [sflag:$0x2] =	stream.indirect_vreg.gather [hbm4b:s1+s3], $0x80, v4, vm0, $0xb8;
	[tilespmem:$0x10080] =	vst v63  }
0x83: {  	_ = 	snop  }
0x84: {  	[tilespmem:s21], [sflag:$0x2] =	stream.indirect_vreg.gather [hbm4b:s5+s3], $0x80, v4, vm0, $0xb8;
	[tilespmem:$0x10080] =	vst v63  }
0x85: {  	_ = 	snop  }
0x86: {  	[tilespmem:s22], [sflag:$0x2] =	stream.indirect_vreg.gather [hbm4b:s1+s3], $0x80, v3, vm0, $0xb8;
	[tilespmem:$0x10080] =	vst v63  }
0x87: {  	_ = 	snop  }
0x88: {  	[tilespmem:s23], [sflag:$0x2] =	stream.indirect_vreg.gather [hbm4b:s5+s3], $0x80, v3, vm0, $0xb8;
	[tilespmem:$0x10080] =	vst v63  }
0x89: {  	v3 =	vld [tilespmem:$0x70];
	_ =	sdelay $0x4  }
0x8a: {  	v63 =	vshll.u32 v3, $0x2  }
0x8b: {  	v3 =	vand.u32 $0x7, v3;
	v4 =	vand.u32 $0xFFFFFFE0, v63  }
0x8c: {  	v3 =	vor.u32 v3, v4  }
0x8d: {  	v4 =	vperm.xlane v3, v0;
	_ =	sdelay $0x1  }
0x8e: {  	v4 =	vadd.s32 v1, v4;
	_ =	sdelay $0x1  }
0x8f: {  	v3 =	vperm.xlane v3, v2;
	_ =	sdelay $0x1  }
0x90: {  	v3 =	vadd.s32 v1, v3  }
0x91: {  	[tilespmem:s24], [sflag:$0x2] =	stream.indirect_vreg.gather [hbm4b:s1+s3], $0x80, v4, vm0, $0xb8;
	[tilespmem:$0x10080] =	vst v63  }
0x92: {  	_ = 	snop  }
0x93: {  	[tilespmem:s25], [sflag:$0x2] =	stream.indirect_vreg.gather [hbm4b:s5+s3], $0x80, v4, vm0, $0xb8;
	[tilespmem:$0x10080] =	vst v63  }
0x94: {  	_ = 	snop  }
0x95: {  	[tilespmem:s26], [sflag:$0x2] =	stream.indirect_vreg.gather [hbm4b:s1+s3], $0x80, v3, vm0, $0xb8;
	[tilespmem:$0x10080] =	vst v63  }
0x96: {  	_ = 	snop  }
0x97: {  	[tilespmem:s28], [sflag:$0x2] =	stream.indirect_vreg.gather [hbm4b:s5+s3], $0x80, v3, vm0, $0xb8;
	[tilespmem:$0x10080] =	vst v63  }
0x98: {  	_ =	swait.ge [sflag:s29], $0x8000  }
0x99: {  	[sflag:s29] =	ssyncset.done $0x0  }
0x9a: {  	[sflag:s29] =	ssyncadd.s32 $0xFFFF8000  }
0x9b: {  	[hbm4b:s4+s3] =	stream.linear.scatter [tilespmem:s8], [sflag:$0x3], $0x8000, $0x38;
	[tilespmem:$0x10080] =	vst v63  }
0x9c: {  	_ =	swait.ge [sflag:s30], $0x8000  }
0x9d: {  	[sflag:s30] =	ssyncset.done $0x0  }
0x9e: {  	s9 =	rddreg [dreg:$0x5];
	[sflag:s30] =	ssyncadd.s32 $0xFFFF8000  }
0x9f: {  	[hbm4b:s9+s3] =	stream.linear.scatter [tilespmem:s12], [sflag:$0x4], $0x8000, $0x38;
	[tilespmem:$0x10080] =	vst v63  }
0xa0: {  	p0 =	sne.s32 s6, $0x1;
	_ =	swait.ge [sflag:s31], $0x8000  }
.Ltmp0:
0xa1: {  	[sflag:s31] =	ssyncset.done $0x0;
	(pc) =	sbr.rel @p0 .LBB2_1-.Ltmp0, $4  }
0xa2: {  	[sflag:s31] =	ssyncadd.s32 $0xFFFF8000  }
0xa3: {  	_ =	swait.ge [sflag:s2], $0x8000  }
0xa4: {  	[sflag:s2] =	ssyncset.done $0x0  }
0xa5: {  	s6 =	sadd.s32 $0xFFFFFFFF, s6;
	[sflag:s2] =	ssyncadd.s32 $0xFFFF8000  }
0xa6: {  	_ =	sfence.sel $0x180000  }
0xa7: {  	[bflag:$0x0] =	sbarrier.arrive $0xFFFF  }
0xa8: {  	_ =	strace $0x90000047  }
0xa9: {  	s0 =	stileid.u32;
	[bflag:$0x2] =	sbarrier.arrive $0xFFFF  }
0xaa: {  	p0 =	sne.s32 s0, $0x0;
	s0 =	rddreg [dreg:$0x3]  }
0xab: {  	s0 =	sadd.s32 @!p0 $0x100000, s0  }
0xac: {  	[sflag:s0] =	ssyncadd.tile.s32 @!p0 $0x1;
	_ =	shalt  }
.Lfunc_end2:
_tile_overlayer_lowered:
.L_overlay_start_2:
0xad: {  	(tag) =	ssettag $0x2  }
0xae: {  	s0 =	rddreg [dreg:$0x0];
	s2 =	stileid.u32  }
0xaf: {  	s1 =	rddreg [dreg:$0x1];
	p0 =	sne.s32 s2, $0x0  }
0xb0: {  	s3 =	rddreg [dreg:$0x2];
	[bflag:$0x3] =	sbarrier.arrive $0xFFFF;
	s2 =	simm.s32 @!p0 $0x1C05  }
0xb1: {  	[timem:s3], [sflag:s2] =	dma.local @!p0 [hbm:s0], s1  }
0xb2: {  	s0 =	simm.s32 @!p0 $0x5  }
0xb3: {  	_ =	swait.ge @!p0 [sflag:s0], s1  }
0xb4: {  	s1 =	ssub.s32 @!p0 $0x0, s1;
	[sflag:s0] =	ssyncset.done @!p0 $0x0  }
0xb5: {  	[sflag:s0] =	ssyncadd.s32 @!p0 s1  }
0xb6: {  	[bflag:$0x3] =	sbarrier.arrive $0xFFFF  }
0xb7: {  	_ =	shalt  }

// kernel: kernel.9.cloned.1.call-start
scs
__scs_entry_jumppad:
0x0: {  	(pc) =	sbr.rel $0x88, $3  }
0x1: {  	(tag) =	ssettag $0x0;
	lr =	simm.s32 $0x1  }
0x2: {  	[smem:$0x3F9D] =	sst lr;
	_ =	strace $0xD0000000  }
0x3: {  	_ = 	snop  }
0x4: {  	_ = 	snop  }
0x5: {  	_ = 	snop  }
0x6: {  	_ = 	snop  }
0x7: {  	_ = 	snop  }
__scs_overlays_trampoline_lowered:
0x8: {  	[smem:$0x3FAC] =	sst s0  }
0x9: {  	[smem:$0x3FAD] =	sst s1  }
0xa: {  	[smem:$0x3FAE] =	sst s2  }
0xb: {  	[smem:$0x3FAF] =	sst s3  }
0xc: {  	[smem:$0x3FB0] =	sst s4  }
0xd: {  	[smem:$0x3FB1] =	sst s5  }
0xe: {  	[smem:$0x3FB2] =	sst s6  }
0xf: {  	[smem:$0x3FB3] =	sst s7  }
0x10: {  	[smem:$0x3FB4] =	sst s8  }
0x11: {  	[smem:$0x3FB5] =	sst s9;
	s0 =	simm.s32 @!p0 $0x0  }
0x12: {  	s1 =	sld [smem:$0x3F9B];
	s0 =	simm.s32 @p0 $0x1  }
0x13: {  	[smem:$0x3FB6] =	sst s0;
	s0 =	simm.s32 @!p1 $0x0  }
0x14: {  	s2 =	sld [smem:$0x3F9A];
	s0 =	simm.s32 @p1 $0x1  }
0x15: {  	[smem:$0x3FB7] =	sst s0;
	s0 =	simm.s32 @!p2 $0x0  }
0x16: {  	s3 =	sld [smem:$0x3FDB];
	s0 =	simm.s32 @p2 $0x1  }
0x17: {  	s4 =	simm.s32 $0x1BF5;
	[smem:$0x3FB9] =	sst s0  }
0x18: {  	s0 =	sld [smem:$0x3F9C];
	_ =	swait.ge [sflag:s4], $0x0  }
0x19: {  	s7 =	sld [smem:$0x3F9D]  }
0x1a: {  	s8 =	sadd.s32 $0xFFFFE003, lr  }
0x1b: {  	s9 =	sadd.s32 $0xFFFFFEF7, lr;
	s5 =	simm.s32 $0xFFFFFFFF;
	p2 =	slt.u32 s8, $0xFFFFF086  }
0x1c: {  	p1 =	slt.u32 s9, $0xF7A;
	s5 =	simm.s32 @!p2 $0x0  }
0x1d: {  	s5 =	simm.s32 @p1 $0x1;
	p0 =	seq.s32 s7, s2  }
0x1e: {  	s7 =	smul.u32 @!p0 $0xF7A, s2;
	p2 =	seq.s32 @!p0 s5, $0x0  }
0x1f: {  	s9 =	smul.u32 $0xF7A, s1;
	s8 =	simm.s32 @!p0 $0x1BF5;
	p2 =	por !p2, p0  }
0x20: {  	[sflag:s8] =	ssyncset.s32 @!p0 $0xFFFFF086;
	s6 =	sadd.s32 @!p0 s3, s7;
	s7 =	simm.s32 @!p0 $0x108  }
0x21: {  	s3 =	sadd.s32 s3, s9;
	s6 =	sadd.s32 @!p0 $0x88, s6;
	s7 =	simm.s32 @p2 $0x1082  }
0x22: {  	[simem:s7], [sflag:s8] =	dma.local @!p0 [hbm:s6], $0xF7A  }
0x23: {  	s9 =	sor.u32 $0xD0000000, s2;
	s6 =	simm.s32 $0x108;
	_ =	swait.ge @!p0 [sflag:s8], $0x0  }
0x24: {  	s3 =	sadd.s32 $0x88, s3;
	s6 =	simm.s32 @!p1 $0x1082;
	[sflag:s4] =	ssyncset.s32 $0xFFFFF086  }
0x25: {  	[simem:s6], [sflag:s4] =	dma.local [hbm:s3], $0xF7A  }
0x26: {  	[smem:$0x3F9D] =	sst s1;
	(tag) =	ssettag s2;
	_ =	strace s9  }
0x27: {  	s1 =	sld [smem:$0x3FAD]  }
0x28: {  	s2 =	sld [smem:$0x3FAE]  }
0x29: {  	s4 =	sld [smem:$0x3FB0]  }
0x2a: {  	p0 =	seq.s32 s5, $0x0;
	s5 =	sld [smem:$0x3FB1]  }
0x2b: {  	s6 =	sld [smem:$0x3FB2]  }
0x2c: {  	s7 =	sld [smem:$0x3FB3]  }
0x2d: {  	s3 =	simm.s32 $0x108;
	s8 =	sld [smem:$0x3FB4]  }
0x2e: {  	s3 =	simm.s32 @!p0 $0x1082;
	s9 =	sld [smem:$0x3FB5]  }
0x2f: {  	lr =	sadd.s32 s0, s3;
	s0 =	sld [smem:$0x3FAC]  }
0x30: {  	s3 =	sld [smem:$0x3FAF]  }
0x31: {  	[smem:$0x3FB8] =	sst s10  }
0x32: {  	s10 =	sld [smem:$0x3FB6];
	_ =	sdelay $0x3  }
0x33: {  	p0 =	seq.s32 s10, $0x1;
	s10 =	sld [smem:$0x3FB8];
	_ =	sdelay $0x3  }
0x34: {  	[smem:$0x3FB8] =	sst s10  }
0x35: {  	s10 =	sld [smem:$0x3FB7];
	_ =	sdelay $0x3  }
0x36: {  	p1 =	seq.s32 s10, $0x1;
	s10 =	sld [smem:$0x3FB8];
	_ =	sdelay $0x3  }
0x37: {  	[smem:$0x3FB8] =	sst s10  }
0x38: {  	s10 =	sld [smem:$0x3FB9]  }
0x39: {  	_ = 	snop;
	(pc) =	sbr.ind lr, $3  }
0x3a: {  	_ = 	snop  }
0x3b: {  	_ = 	snop  }
0x3c: {  	p2 =	seq.s32 s10, $0x1;
	s10 =	sld [smem:$0x3FB8]  }
0x3d: {  	_ =	shalt  }
0x3e: {  	_ =	shalt  }
0x3f: {  	_ =	shalt  }
0x40: {  	_ =	shalt  }
0x41: {  	_ =	shalt  }
0x42: {  	_ =	shalt  }
0x43: {  	_ =	shalt  }
0x44: {  	_ =	shalt  }
0x45: {  	_ =	shalt  }
0x46: {  	_ =	shalt  }
0x47: {  	_ =	shalt  }
0x48: {  	_ =	shalt  }
0x49: {  	_ =	shalt  }
0x4a: {  	_ =	shalt  }
0x4b: {  	_ =	shalt  }
0x4c: {  	_ =	shalt  }
0x4d: {  	_ =	shalt  }
0x4e: {  	_ =	shalt  }
0x4f: {  	_ =	shalt  }
0x50: {  	_ =	shalt  }
0x51: {  	_ =	shalt  }
0x52: {  	_ =	shalt  }
0x53: {  	_ =	shalt  }
0x54: {  	_ =	shalt  }
0x55: {  	_ =	shalt  }
0x56: {  	_ =	shalt  }
0x57: {  	_ =	shalt  }
0x58: {  	_ =	shalt  }
0x59: {  	_ =	shalt  }
0x5a: {  	_ =	shalt  }
0x5b: {  	_ =	shalt  }
0x5c: {  	_ =	shalt  }
0x5d: {  	_ =	shalt  }
0x5e: {  	_ =	shalt  }
0x5f: {  	_ =	shalt  }
0x60: {  	_ =	shalt  }
0x61: {  	_ =	shalt  }
0x62: {  	_ =	shalt  }
0x63: {  	_ =	shalt  }
0x64: {  	_ =	shalt  }
0x65: {  	_ =	shalt  }
0x66: {  	_ =	shalt  }
0x67: {  	_ =	shalt  }
0x68: {  	_ =	shalt  }
0x69: {  	_ =	shalt  }
0x6a: {  	_ =	shalt  }
0x6b: {  	_ =	shalt  }
0x6c: {  	_ =	shalt  }
0x6d: {  	_ =	shalt  }
0x6e: {  	_ =	shalt  }
0x6f: {  	_ =	shalt  }
0x70: {  	_ =	shalt  }
0x71: {  	_ =	shalt  }
0x72: {  	_ =	shalt  }
0x73: {  	_ =	shalt  }
0x74: {  	_ =	shalt  }
0x75: {  	_ =	shalt  }
0x76: {  	_ =	shalt  }
0x77: {  	_ =	shalt  }
0x78: {  	_ =	shalt  }
0x79: {  	_ =	shalt  }
0x7a: {  	_ =	shalt  }
0x7b: {  	_ =	shalt  }
0x7c: {  	_ =	shalt  }
0x7d: {  	_ =	shalt  }
0x7e: {  	_ =	shalt  }
0x7f: {  	_ =	shalt  }
0x80: {  	_ =	shalt  }
0x81: {  	_ =	shalt  }
0x82: {  	_ =	shalt  }
0x83: {  	_ =	shalt  }
0x84: {  	_ =	shalt  }
0x85: {  	_ =	shalt  }
0x86: {  	_ =	shalt  }
0x87: {  	_ =	shalt  }
.Lfunc_end0:
.L_simem_size_0:
called_computation.1_lowered:
.L_overlay_start_0:
0x88: {  	s2 =	sld [smem:$0x3FD9]  }
0x89: {  	s3 =	sld [smem:$0x3FFE];
	_ =	sdelay $0x1  }
0x8a: {  	s1 =	srdreg.scid  }
0x8b: {  	s0 =	sand.u32 $0x1, s1  }
0x8c: {  	s17 =	sshll.u32 s0, $0xA;
	s2 =	sadd.s32 s3, s2  }
0x8d: {  	s2 =	sadd.s32 s2, s17  }
0x8e: {  	[smem:$0x3FC4] =	sst s2  }
0x8f: {  	_ = 	snop  }
0x90: {  	s18 =	sld [smem:$0x3FC9]  }
0x91: {  	s4 =	sld [smem:$0x3FC8];
	(tm) =	ssettm $0x1  }
0x92: {  	s19 =	sld [smem:$0x3FFB];
	_ =	sdelay $0x3  }
0x93: {  	_ =	strace s19  }
0x94: {  	s2 =	sld [smem:$0x3FFC];
	_ =	sdelay $0x3  }
0x95: {  	_ =	strace s2  }
0x96: {  	s2 =	sld [smem:$0x3FFD];
	_ =	sdelay $0x3  }
0x97: {  	_ =	strace s2  }
0x98: {  	_ =	strace $0x8FFFFFFF  }
0x99: {  	s20 =	sld [smem:$0x3FDB];
	_ =	sdelay $0x1  }
0x9a: {  	s5 =	simm.s32 $_scs_section_size  }
0x9b: {  	s6 =	simm.s32 $_size__tile_overlayer_lowered;
	s7 =	simm.s32 $_tile_overlayer_lowered  }
0x9c: {  	s8 =	simm.s32 $0x1BFF;
	s21 =	sshll.u32 s7, $0x1;
	s5 =	sadd.s32 s5, s20  }
0x9d: {  	s22 =	simm.s32 $0x0;
	s6 =	sshll.u32 s6, $0x1;
	s7 =	sadd.s32 s21, s5  }
0x9e: {  	[timem:s22], [sflag:s8] =	dma.local [hbm:s7], s6  }
0x9f: {  	_ =	swait.ge [sflag:s8], s6  }
0xa0: {  	s6 =	ssub.s32 $0x0, s6;
	[sflag:s8] =	ssyncset.done $0x0  }
0xa1: {  	[sflag:s8] =	ssyncadd.s32 s6;
	_ =	sdelay $0x1  }
0xa2: {  	s23 =	simm.s32 $0x1B8B  }
0xa3: {  	_ =	swait.ge [sflag:s23], $0x1  }
0xa4: {  	[sflag:s23] =	ssyncset.done $0x0  }
0xa5: {  	[sflag:s23] =	ssyncadd.s32 $0xFFFFFFFF  }
0xa6: {  	s6 =	sld [smem:$0x0]  }
0xa7: {  	s7 =	sand.u32 $0xFFFFFFFE, s1  }
0xa8: {  	p0 =	sne.s32 s1, s7  }
0xa9: {  	s7 =	sshll.u32 @p0 s7, $0xE  }
0xaa: {  	s7 =	sadd.s32 @p0 $0x11B8D, s7;
	s8 =	sshll.u32 @p0 s6, $0x11  }
0xab: {  	s7 =	sor.u32 @p0 s8, s7  }
0xac: {  	[sflag:s7] =	ssyncadd.remote.s32 @p0 $0x1;
	_ =	sdelay $0x1  }
0xad: {  	s7 =	simm.s32 @p0 $0x1B8D  }
0xae: {  	_ =	swait.eq @p0 [sflag:s7], $0x1  }
0xaf: {  	[sflag:s7] =	ssyncadd.s32 @p0 $0xFFFFFFFF  }
0xb0: {  	s8 =	sshll.u32 @!p0 s1, $0xE  }
0xb1: {  	s8 =	sor.u32 @!p0 $0x4000, s8;
	s7 =	simm.s32 @!p0 $0x1B8D  }
0xb2: {  	s6 =	sshll.u32 @!p0 s6, $0x11;
	s8 =	sadd.s32 @!p0 $0x11B8D, s8;
	_ =	swait.eq @!p0 [sflag:s7], $0x1  }
0xb3: {  	s6 =	sor.u32 @!p0 s6, s8;
	[sflag:s7] =	ssyncadd.s32 @!p0 $0xFFFFFFFF  }
0xb4: {  	s25 =	simm.s32 $0x1B8E;
	s24 =	sld [smem:$0x3FFE];
	[sflag:s6] =	ssyncadd.remote.s32 @!p0 $0x1  }
0xb5: {  	s26 =	simm.s32 $execute0_lowered;
	[smem:$0x3FD2] =	sst s25  }
0xb6: {  	s7 =	sshll.u32 s26, $0x1;
	_ =	strace $0x80000049;
	[dreg:$0x1] =	wrdreg $0xFFFFFFFF  }
0xb7: {  	s28 =	simm.s32 $_size_execute0_lowered;
	s5 =	sadd.s32 s5, s7;
	[dreg:$0x0] =	wrdreg $0x0  }
0xb8: {  	s7 =	sshll.u32 s28, $0x1;
	[dreg:$0x2] =	wrdreg s5  }
0xb9: {  	[dreg:$0x3] =	wrdreg s7  }
0xba: {  	[dreg:$0x4] =	wrdreg $0xC0  }
0xbb: {  	_ =	task [dreg:s22], $0x5FFFF  }
0xbc: {  	[dreg:$0x1] =	wrdreg $0xFFFFFFFF  }
0xbd: {  	[dreg:$0x0] =	wrdreg $0x60  }
0xbe: {  	[dreg:$0x2] =	wrdreg s4  }
0xbf: {  	[dreg:$0x3] =	wrdreg s18  }
0xc0: {  	[dreg:$0x4] =	wrdreg s24  }
0xc1: {  	[dreg:$0x5] =	wrdreg $0xA  }
0xc2: {  	_ =	task.clear_ibuf [dreg:s22], $0x6FFFF;
	_ =	strace $0x90000049  }
0xc3: {  	s29 =	simm.s32 $0xA;
	_ =	strace $0x8000004B  }
0xc4: {  	_ =	swait.ge [sflag:s29], $0x1  }
0xc5: {  	[sflag:s29] =	ssyncadd.s32 $0xFFFFFFFF  }
0xc6: {  	_ =	strace $0x9000004B  }
0xc7: {  	_ =	sfence  }
0xc8: {  	s30 =	sld [smem:$0x0];
	_ =	sdelay $0x2  }
0xc9: {  	s31 =	sshll.u32 s1, $0xD;
	s1 =	sshrl.u32 s1, $0x2  }
0xca: {  	s4 =	sand.u32 $0x4000, s31;
	s1 =	sadd.s32 s1, s30  }
0xcb: {  	s0 =	sor.u32 s4, s0;
	s1 =	sshll.u32 s1, $0x11  }
0xcc: {  	s0 =	sor.u32 s1, s0  }
0xcd: {  	s0 =	sadd.s32 $0x8F2B, s0  }
0xce: {  	[sflag:s0] =	ssyncadd.remote.s32 $0x1  }
0xcf: {  	_ =	sfence.sel $0xFFFF  }
0xd0: {  	[dreg:$0x0] =	wrdreg $0xFFFFFFFF;
	(pc) =	sbr.abs _section_cstart, $3  }
0xd1: {  	[dreg:$0x1] =	wrdreg $0xFFFFFFFF  }
0xd2: {  	_ =	task.clear_ibuf [dreg:s22], $0x2FFFF;
	_ =	strace $0x9FFFFFFF  }
0xd3: {  	(tm) =	ssettm $0x7FFFFFFF  }
tec
execute0_lowered:
.L_overlay_start_1:
0x0: {  	(tag) =	ssettag $0x1  }
0x1: {  	s1 =	srdreg.scid  }
0x2: {  	s0 =	stileid.u32;
	s6 =	rddreg [dreg:$0x1]  }
0x3: {  	s12 =	rddreg [dreg:$0x2];
	s15 =	simm.s32 $0x880;
	s2 =	sand.u32 $0x1, s1  }
0x4: {  	s16 =	simm.s32 $0x1080;
	s11 =	sshll.u32 s0, $0x8;
	s3 =	sshll.u32 s2, $0x7  }
0x5: {  	s17 =	simm.s32 $0x1880;
	s18 =	simm.s32 $0x2080;
	s4 =	sor.u32 s3, s11  }
0x6: {  	s19 =	simm.s32 $0x2880;
	s5 =	sshll.u32 s0, $0x4;
	s3 =	sshll.u32 s4, $0x2  }
0x7: {  	s1 =	rddreg [dreg:$0x0];
	s4 =	sshll.u32 s4, $0x6;
	s3 =	sor.u32 s5, s3  }
0x8: {  	s4 =	sadd.s32 s4, s12;
	s7 =	sand.u32 $0x1E80, s3;
	s3 =	simm.s32 $0x0  }
0x9: {  	s20 =	simm.s32 $0x3080;
	s14 =	sadd.s32 $0x1000, s4;
	[smem:$0x7FF] =	sst s3  }
0xa: {  	s4 =	sadd.s32 $0x2000, s4;
	_ =	strace $0x8000004A;
	[dreg:$0x5] =	wrdreg s14  }
0xb: {  	s21 =	simm.s32 $0x3880;
	s23 =	simm.s32 $0x4080;
	[dreg:$0x6] =	wrdreg s4  }
0xc: {  	s24 =	simm.s32 $0x4880;
	s25 =	simm.s32 $0x5080;
	[dreg:$0x7] =	wrdreg s15  }
0xd: {  	s26 =	simm.s32 $0x5880;
	s9 =	simm.s32 $0x6880;
	[dreg:$0x8] =	wrdreg s16  }
0xe: {  	s10 =	simm.s32 $0x7080;
	s28 =	simm.s32 $0xF880;
	[dreg:$0x9] =	wrdreg s17  }
0xf: {  	s29 =	simm.s32 $0x1;
	s30 =	simm.s32 $0x2;
	[dreg:$0xa] =	wrdreg s18  }
0x10: {  	s31 =	simm.s32 $0x3;
	s2 =	ssub.s32 $0x2, s2;
	[dreg:$0xb] =	wrdreg s19  }
0x11: {  	s22 =	sshrl.u32 s2, $0x1;
	s11 =	simm.s32 $0x7880;
	[dreg:$0xc] =	wrdreg s20  }
0x12: {  	s2 =	ssub.s32 s2, s22;
	s22 =	simm.s32 $0xD080;
	[dreg:$0xd] =	wrdreg s21  }
0x13: {  	s5 =	smax.u32 s2, $0x1;
	s12 =	simm.s32 $0x8080;
	[dreg:$0xe] =	wrdreg s23  }
0x14: {  	s2 =	simm.s32 $0x4;
	s7 =	sshrl.u32 s7, $0x3;
	[dreg:$0xf] =	wrdreg s24  }
0x15: {  	s6 =	sadd.s32 s7, s6;
	s4 =	sadd.s32 $0x100, s1;
	[dreg:$0x10] =	wrdreg s25  }
0x16: {  	s7 =	simm.s32 $0x80;
	[dreg:$0x11] =	wrdreg s26;
	s14 =	simm.s32 $0x9080  }
0x17: {  	s15 =	simm.s32 $0x9880;
	s16 =	simm.s32 $0xA080;
	s17 =	simm.s32 $0xA880  }
0x18: {  	s18 =	simm.s32 $0xB080;
	s19 =	simm.s32 $0xB880;
	s20 =	simm.s32 $0xC080  }
0x19: {  	v2 =	vlaneseq.u32;
	s21 =	simm.s32 $0xC880;
	s23 =	simm.s32 $0xD880;
	s24 =	simm.s32 $0xE080  }
0x1a: {  	vm0 =	vmmov $0xffff;
	v1 =	vshrl.u32 v2, $0x3;
	s25 =	simm.s32 $0xE880;
	s26 =	simm.s32 $0xF080;
	s13 =	sadd.s32 $0x20, s6  }
0x1b: {  	v0 =	vand.u32 $0x7, v2;
	v2 =	vor.u32 $0x8, v2;
	v1 =	vmul.u32 $0x8, v1;
	s6 =	simm.s32 $0x5;
	[dreg:$0x4] =	wrdreg s13;
	s13 =	simm.s32 $0x8880  }
.LBB2_1:
0x1c: {  	s0 =	rddreg [dreg:$0x4]  }
0x1d: {  	[tilespmem:s3], [sflag:$0x5] =	stream.linear.gather [hbm4b:s0+s3], $0x80, $0x38;
	[tilespmem:$0x10080] =	vst v63  }
0x1e: {  	_ =	swait.ge [sflag:s6], $0x80  }
0x1f: {  	[sflag:s6] =	ssyncset.done $0x0  }
0x20: {  	[sflag:s6] =	ssyncadd.s32 $0xFFFFFF80  }
0x21: {  	v3 =	vld [tilespmem:$0x0];
	_ =	sdelay $0x4  }
0x22: {  	v4 =	vshll.u32 v3, $0x2  }
0x23: {  	v3 =	vand.u32 $0x7, v3;
	v4 =	vand.u32 $0xFFFFFFE0, v4  }
0x24: {  	v3 =	vor.u32 v3, v4  }
0x25: {  	v4 =	vperm.xlane v3, v0;
	_ =	sdelay $0x1  }
0x26: {  	v4 =	vadd.s32 v1, v4;
	_ =	sdelay $0x1  }
0x27: {  	v3 =	vperm.xlane v3, v2;
	_ =	sdelay $0x1  }
0x28: {  	v3 =	vadd.s32 v1, v3  }
0x29: {  	[tilespmem:s7], [sflag:$0x1] =	stream.indirect_vreg.gather [hbm4b:s1+s3], $0x80, v4, vm0, $0xb8;
	[tilespmem:$0x10080] =	vst v63  }
0x2a: {  	s0 =	rddreg [dreg:$0x7]  }
0x2b: {  	[tilespmem:s0], [sflag:$0x1] =	stream.indirect_vreg.gather [hbm4b:s4+s3], $0x80, v4, vm0, $0xb8;
	[tilespmem:$0x10080] =	vst v63  }
0x2c: {  	s8 =	rddreg [dreg:$0x8]  }
0x2d: {  	[tilespmem:s8], [sflag:$0x1] =	stream.indirect_vreg.gather [hbm4b:s1+s3], $0x80, v3, vm0, $0xb8;
	[tilespmem:$0x10080] =	vst v63  }
0x2e: {  	s0 =	rddreg [dreg:$0x9]  }
0x2f: {  	[tilespmem:s0], [sflag:$0x1] =	stream.indirect_vreg.gather [hbm4b:s4+s3], $0x80, v3, vm0, $0xb8;
	[tilespmem:$0x10080] =	vst v63  }
0x30: {  	v3 =	vld [tilespmem:$0x10];
	_ =	sdelay $0x4  }
0x31: {  	v57 =	vshll.u32 v3, $0x2  }
0x32: {  	v3 =	vand.u32 $0x7, v3;
	v4 =	vand.u32 $0xFFFFFFE0, v57  }
0x33: {  	v3 =	vor.u32 v3, v4  }
0x34: {  	v4 =	vperm.xlane v3, v0;
	_ =	sdelay $0x1  }
0x35: {  	v4 =	vadd.s32 v1, v4;
	_ =	sdelay $0x1  }
0x36: {  	v3 =	vperm.xlane v3, v2;
	_ =	sdelay $0x1  }
0x37: {  	s0 =	rddreg [dreg:$0xa];
	v3 =	vadd.s32 v1, v3  }
0x38: {  	[tilespmem:s0], [sflag:$0x1] =	stream.indirect_vreg.gather [hbm4b:s1+s3], $0x80, v4, vm0, $0xb8;
	[tilespmem:$0x10080] =	vst v63  }
0x39: {  	s8 =	rddreg [dreg:$0xb]  }
0x3a: {  	[tilespmem:s8], [sflag:$0x1] =	stream.indirect_vreg.gather [hbm4b:s4+s3], $0x80, v4, vm0, $0xb8;
	[tilespmem:$0x10080] =	vst v63  }
0x3b: {  	s0 =	rddreg [dreg:$0xc]  }
0x3c: {  	[tilespmem:s0], [sflag:$0x1] =	stream.indirect_vreg.gather [hbm4b:s1+s3], $0x80, v3, vm0, $0xb8;
	[tilespmem:$0x10080] =	vst v63  }
0x3d: {  	s8 =	rddreg [dreg:$0xd]  }
0x3e: {  	[tilespmem:s8], [sflag:$0x1] =	stream.indirect_vreg.gather [hbm4b:s4+s3], $0x80, v3, vm0, $0xb8;
	[tilespmem:$0x10080] =	vst v63  }
0x3f: {  	v3 =	vld [tilespmem:$0x20];
	_ =	sdelay $0x4  }
0x40: {  	v58 =	vshll.u32 v3, $0x2  }
0x41: {  	v3 =	vand.u32 $0x7, v3;
	v4 =	vand.u32 $0xFFFFFFE0, v58  }
0x42: {  	v3 =	vor.u32 v3, v4  }
0x43: {  	v4 =	vperm.xlane v3, v0;
	_ =	sdelay $0x1  }
0x44: {  	v4 =	vadd.s32 v1, v4;
	_ =	sdelay $0x1  }
0x45: {  	v3 =	vperm.xlane v3, v2;
	_ =	sdelay $0x1  }
0x46: {  	s0 =	rddreg [dreg:$0xe];
	v3 =	vadd.s32 v1, v3  }
0x47: {  	[tilespmem:s0], [sflag:$0x1] =	stream.indirect_vreg.gather [hbm4b:s1+s3], $0x80, v4, vm0, $0xb8;
	[tilespmem:$0x10080] =	vst v63  }
0x48: {  	s8 =	rddreg [dreg:$0xf]  }
0x49: {  	[tilespmem:s8], [sflag:$0x1] =	stream.indirect_vreg.gather [hbm4b:s4+s3], $0x80, v4, vm0, $0xb8;
	[tilespmem:$0x10080] =	vst v63  }
0x4a: {  	s0 =	rddreg [dreg:$0x10]  }
0x4b: {  	[tilespmem:s0], [sflag:$0x1] =	stream.indirect_vreg.gather [hbm4b:s1+s3], $0x80, v3, vm0, $0xb8;
	[tilespmem:$0x10080] =	vst v63  }
0x4c: {  	s8 =	rddreg [dreg:$0x11]  }
0x4d: {  	[tilespmem:s8], [sflag:$0x1] =	stream.indirect_vreg.gather [hbm4b:s4+s3], $0x80, v3, vm0, $0xb8;
	[tilespmem:$0x10080] =	vst v63  }
0x4e: {  	v3 =	vld [tilespmem:$0x30];
	_ =	sdelay $0x4  }
0x4f: {  	v59 =	vshll.u32 v3, $0x2  }
0x50: {  	v3 =	vand.u32 $0x7, v3;
	v4 =	vand.u32 $0xFFFFFFE0, v59  }
0x51: {  	v3 =	vor.u32 v3, v4  }
0x52: {  	v4 =	vperm.xlane v3, v0;
	_ =	sdelay $0x1  }
0x53: {  	v4 =	vadd.s32 v1, v4;
	_ =	sdelay $0x1  }
0x54: {  	v3 =	vperm.xlane v3, v2;
	_ =	sdelay $0x1  }
0x55: {  	s8 =	simm.s32 $0x6080;
	v3 =	vadd.s32 v1, v3  }
0x56: {  	[tilespmem:s8], [sflag:$0x1] =	stream.indirect_vreg.gather [hbm4b:s1+s3], $0x80, v4, vm0, $0xb8;
	[tilespmem:$0x10080] =	vst v63  }
0x57: {  	_ = 	snop  }
0x58: {  	[tilespmem:s9], [sflag:$0x1] =	stream.indirect_vreg.gather [hbm4b:s4+s3], $0x80, v4, vm0, $0xb8;
	[tilespmem:$0x10080] =	vst v63  }
0x59: {  	_ = 	snop  }
0x5a: {  	[tilespmem:s10], [sflag:$0x1] =	stream.indirect_vreg.gather [hbm4b:s1+s3], $0x80, v3, vm0, $0xb8;
	[tilespmem:$0x10080] =	vst v63  }
0x5b: {  	_ = 	snop  }
0x5c: {  	[tilespmem:s11], [sflag:$0x1] =	stream.indirect_vreg.gather [hbm4b:s4+s3], $0x80, v3, vm0, $0xb8;
	[tilespmem:$0x10080] =	vst v63  }
0x5d: {  	v3 =	vld [tilespmem:$0x40];
	_ =	sdelay $0x4  }
0x5e: {  	v60 =	vshll.u32 v3, $0x2  }
0x5f: {  	v3 =	vand.u32 $0x7, v3;
	v4 =	vand.u32 $0xFFFFFFE0, v60  }
0x60: {  	v3 =	vor.u32 v3, v4  }
0x61: {  	v4 =	vperm.xlane v3, v0;
	_ =	sdelay $0x1  }
0x62: {  	v4 =	vadd.s32 v1, v4;
	_ =	sdelay $0x1  }
0x63: {  	v3 =	vperm.xlane v3, v2;
	_ =	sdelay $0x1  }
0x64: {  	v3 =	vadd.s32 v1, v3  }
0x65: {  	[tilespmem:s12], [sflag:$0x2] =	stream.indirect_vreg.gather [hbm4b:s1+s3], $0x80, v4, vm0, $0xb8;
	[tilespmem:$0x10080] =	vst v63  }
0x66: {  	_ = 	snop  }
0x67: {  	[tilespmem:s13], [sflag:$0x2] =	stream.indirect_vreg.gather [hbm4b:s4+s3], $0x80, v4, vm0, $0xb8;
	[tilespmem:$0x10080] =	vst v63  }
0x68: {  	_ = 	snop  }
0x69: {  	[tilespmem:s14], [sflag:$0x2] =	stream.indirect_vreg.gather [hbm4b:s1+s3], $0x80, v3, vm0, $0xb8;
	[tilespmem:$0x10080] =	vst v63  }
0x6a: {  	_ = 	snop  }
0x6b: {  	[tilespmem:s15], [sflag:$0x2] =	stream.indirect_vreg.gather [hbm4b:s4+s3], $0x80, v3, vm0, $0xb8;
	[tilespmem:$0x10080] =	vst v63  }
0x6c: {  	v3 =	vld [tilespmem:$0x50];
	_ =	sdelay $0x4  }
0x6d: {  	v61 =	vshll.u32 v3, $0x2  }
0x6e: {  	v3 =	vand.u32 $0x7, v3;
	v4 =	vand.u32 $0xFFFFFFE0, v61  }
0x6f: {  	v3 =	vor.u32 v3, v4  }
0x70: {  	v4 =	vperm.xlane v3, v0;
	_ =	sdelay $0x1  }
0x71: {  	v4 =	vadd.s32 v1, v4;
	_ =	sdelay $0x1  }
0x72: {  	v3 =	vperm.xlane v3, v2;
	_ =	sdelay $0x1  }
0x73: {  	v3 =	vadd.s32 v1, v3  }
0x74: {  	[tilespmem:s16], [sflag:$0x2] =	stream.indirect_vreg.gather [hbm4b:s1+s3], $0x80, v4, vm0, $0xb8;
	[tilespmem:$0x10080] =	vst v63  }
0x75: {  	_ = 	snop  }
0x76: {  	[tilespmem:s17], [sflag:$0x2] =	stream.indirect_vreg.gather [hbm4b:s4+s3], $0x80, v4, vm0, $0xb8;
	[tilespmem:$0x10080] =	vst v63  }
0x77: {  	_ = 	snop  }
0x78: {  	[tilespmem:s18], [sflag:$0x2] =	stream.indirect_vreg.gather [hbm4b:s1+s3], $0x80, v3, vm0, $0xb8;
	[tilespmem:$0x10080] =	vst v63  }
0x79: {  	_ = 	snop  }
0x7a: {  	[tilespmem:s19], [sflag:$0x2] =	stream.indirect_vreg.gather [hbm4b:s4+s3], $0x80, v3, vm0, $0xb8;
	[tilespmem:$0x10080] =	vst v63  }
0x7b: {  	v3 =	vld [tilespmem:$0x60];
	_ =	sdelay $0x4  }
0x7c: {  	v62 =	vshll.u32 v3, $0x2  }
0x7d: {  	v3 =	vand.u32 $0x7, v3;
	v4 =	vand.u32 $0xFFFFFFE0, v62  }
0x7e: {  	v3 =	vor.u32 v3, v4  }
0x7f: {  	v4 =	vperm.xlane v3, v0;
	_ =	sdelay $0x1  }
0x80: {  	v4 =	vadd.s32 v1, v4;
	_ =	sdelay $0x1  }
0x81: {  	v3 =	vperm.xlane v3, v2;
	_ =	sdelay $0x1  }
0x82: {  	v3 =	vadd.s32 v1, v3  }
0x83: {  	[tilespmem:s20], [sflag:$0x2] =	stream.indirect_vreg.gather [hbm4b:s1+s3], $0x80, v4, vm0, $0xb8;
	[tilespmem:$0x10080] =	vst v63  }
0x84: {  	_ = 	snop  }
0x85: {  	[tilespmem:s21], [sflag:$0x2] =	stream.indirect_vreg.gather [hbm4b:s4+s3], $0x80, v4, vm0, $0xb8;
	[tilespmem:$0x10080] =	vst v63  }
0x86: {  	_ = 	snop  }
0x87: {  	[tilespmem:s22], [sflag:$0x2] =	stream.indirect_vreg.gather [hbm4b:s1+s3], $0x80, v3, vm0, $0xb8;
	[tilespmem:$0x10080] =	vst v63  }
0x88: {  	_ = 	snop  }
0x89: {  	[tilespmem:s23], [sflag:$0x2] =	stream.indirect_vreg.gather [hbm4b:s4+s3], $0x80, v3, vm0, $0xb8;
	[tilespmem:$0x10080] =	vst v63  }
0x8a: {  	v3 =	vld [tilespmem:$0x70];
	_ =	sdelay $0x4  }
0x8b: {  	v63 =	vshll.u32 v3, $0x2  }
0x8c: {  	v3 =	vand.u32 $0x7, v3;
	v4 =	vand.u32 $0xFFFFFFE0, v63  }
0x8d: {  	v3 =	vor.u32 v3, v4  }
0x8e: {  	v4 =	vperm.xlane v3, v0;
	_ =	sdelay $0x1  }
0x8f: {  	v4 =	vadd.s32 v1, v4;
	_ =	sdelay $0x1  }
0x90: {  	v3 =	vperm.xlane v3, v2;
	_ =	sdelay $0x1  }
0x91: {  	v3 =	vadd.s32 v1, v3  }
0x92: {  	[tilespmem:s24], [sflag:$0x2] =	stream.indirect_vreg.gather [hbm4b:s1+s3], $0x80, v4, vm0, $0xb8;
	[tilespmem:$0x10080] =	vst v63  }
0x93: {  	_ = 	snop  }
0x94: {  	[tilespmem:s25], [sflag:$0x2] =	stream.indirect_vreg.gather [hbm4b:s4+s3], $0x80, v4, vm0, $0xb8;
	[tilespmem:$0x10080] =	vst v63  }
0x95: {  	_ = 	snop  }
0x96: {  	[tilespmem:s26], [sflag:$0x2] =	stream.indirect_vreg.gather [hbm4b:s1+s3], $0x80, v3, vm0, $0xb8;
	[tilespmem:$0x10080] =	vst v63  }
0x97: {  	_ = 	snop  }
0x98: {  	[tilespmem:s28], [sflag:$0x2] =	stream.indirect_vreg.gather [hbm4b:s4+s3], $0x80, v3, vm0, $0xb8;
	[tilespmem:$0x10080] =	vst v63  }
0x99: {  	_ =	swait.ge [sflag:s29], $0x8000  }
0x9a: {  	[sflag:s29] =	ssyncset.done $0x0  }
0x9b: {  	s8 =	rddreg [dreg:$0x5];
	[sflag:s29] =	ssyncadd.s32 $0xFFFF8000  }
0x9c: {  	[hbm4b:s8+s3] =	stream.linear.scatter [tilespmem:s7], [sflag:$0x3], $0x8000, $0x38;
	[tilespmem:$0x10080] =	vst v63  }
0x9d: {  	_ =	swait.ge [sflag:s30], $0x8000  }
0x9e: {  	[sflag:s30] =	ssyncset.done $0x0  }
0x9f: {  	s8 =	rddreg [dreg:$0x6];
	[sflag:s30] =	ssyncadd.s32 $0xFFFF8000  }
0xa0: {  	[hbm4b:s8+s3] =	stream.linear.scatter [tilespmem:s12], [sflag:$0x4], $0x8000, $0x38;
	[tilespmem:$0x10080] =	vst v63  }
0xa1: {  	p0 =	sne.s32 s5, $0x1;
	_ =	swait.ge [sflag:s31], $0x8000  }
.Ltmp0:
0xa2: {  	[sflag:s31] =	ssyncset.done $0x0;
	(pc) =	sbr.rel @p0 .LBB2_1-.Ltmp0, $4  }
0xa3: {  	[sflag:s31] =	ssyncadd.s32 $0xFFFF8000  }
0xa4: {  	_ =	swait.ge [sflag:s2], $0x8000  }
0xa5: {  	[sflag:s2] =	ssyncset.done $0x0  }
0xa6: {  	s5 =	sadd.s32 $0xFFFFFFFF, s5;
	[sflag:s2] =	ssyncadd.s32 $0xFFFF8000  }
0xa7: {  	_ =	sfence.sel $0x180000  }
0xa8: {  	[bflag:$0x0] =	sbarrier.arrive $0xFFFF  }
0xa9: {  	_ =	strace $0x9000004A  }
0xaa: {  	s0 =	stileid.u32;
	[bflag:$0x2] =	sbarrier.arrive $0xFFFF  }
0xab: {  	p0 =	sne.s32 s0, $0x0;
	s0 =	rddreg [dreg:$0x3]  }
0xac: {  	s0 =	sadd.s32 @!p0 $0x100000, s0  }
0xad: {  	[sflag:s0] =	ssyncadd.tile.s32 @!p0 $0x1;
	_ =	shalt  }
.Lfunc_end2:
_tile_overlayer_lowered:
.L_overlay_start_2:
0xae: {  	(tag) =	ssettag $0x2  }
0xaf: {  	s0 =	rddreg [dreg:$0x0];
	s2 =	stileid.u32  }
0xb0: {  	s1 =	rddreg [dreg:$0x1];
	p0 =	sne.s32 s2, $0x0  }
0xb1: {  	s3 =	rddreg [dreg:$0x2];
	[bflag:$0x3] =	sbarrier.arrive $0xFFFF;
	s2 =	simm.s32 @!p0 $0x1C05  }
0xb2: {  	[timem:s3], [sflag:s2] =	dma.local @!p0 [hbm:s0], s1  }
0xb3: {  	s0 =	simm.s32 @!p0 $0x5  }
0xb4: {  	_ =	swait.ge @!p0 [sflag:s0], s1  }
0xb5: {  	s1 =	ssub.s32 @!p0 $0x0, s1;
	[sflag:s0] =	ssyncset.done @!p0 $0x0  }
0xb6: {  	[sflag:s0] =	ssyncadd.s32 @!p0 s1  }
0xb7: {  	[bflag:$0x3] =	sbarrier.arrive $0xFFFF  }
0xb8: {  	_ =	shalt  }

</sc_bundles>
